<compile_context>
chip_gen: v7x
topology: tpu7x:2x2x1
jax: 0.10.2.dev20260603
libtpu: 0.0.44.dev20260713+nightly
codegen_flags: <defaults>
</compile_context>

<pallas_src>
import functools

import jax
import jax.numpy as jnp
from jax import lax
from jax.experimental import pallas as pl
from jax.experimental.pallas import tpu as pltpu
from jax.experimental.pallas import tpu_sc as plsc

N = 10000
D_IN = 128
D_H = 128
D_OUT = 64
E = 320000

NC = 2
NS = 16
NW = NC * NS
NPAD = 10112


def _seg_sum_sc(h, src_w, dst_w, zeros, d, nbuf, nc_pair):
    chunk = src_w.shape[2]
    nc0, nc1 = nc_pair
    assert nc0 % nbuf == 0 and nc1 % nbuf == 0
    assert min(nc0, nc1) >= 2 * nbuf
    zrows = NPAD // NS
    mesh = plsc.VectorSubcoreMesh(core_axis_name="c", subcore_axis_name="s")

    @functools.partial(
        pl.kernel,
        out_type=jax.ShapeDtypeStruct((NC, NPAD, d), jnp.float32),
        mesh=mesh,
        compiler_params=pltpu.CompilerParams(use_tc_tiling_on_sc=False),
        scratch_types=[
            pltpu.VMEM((max(nc0, nc1), chunk), jnp.int32),
            pltpu.VMEM((max(nc0, nc1), chunk), jnp.int32),
            pltpu.VMEM((nbuf, chunk, d), jnp.float32),
            pltpu.VMEM_SHARED((NPAD, d), jnp.float32),
            pltpu.SemaphoreType.DMA((nbuf,)),
        ],
    )
    def k(h_hbm, src_hbm, dst_hbm, z_hbm, out_hbm, src_v, dst_v, rows_v,
          acc_sh, sems):
        cid = lax.axis_index("c")
        sid = lax.axis_index("s")
        wid = cid * NS + sid
        pltpu.sync_copy(z_hbm.at[pl.ds(sid * zrows, zrows)],
                        acc_sh.at[pl.ds(sid * zrows, zrows)])
        pltpu.sync_copy(src_hbm.at[wid], src_v)
        pltpu.sync_copy(dst_hbm.at[wid], dst_v)
        plsc.subcore_barrier()

        def gather(j, b):
            pltpu.async_copy(h_hbm.at[src_v.at[j]], rows_v.at[b], sems.at[b])

        def consume(j, b):
            pltpu.make_async_copy(h_hbm.at[src_v.at[j]], rows_v.at[b],
                                  sems.at[b]).wait()
            pltpu.sync_copy(rows_v.at[b], acc_sh.at[dst_v.at[j]], add=True)

        ngroups = jnp.where(cid == 0, nc0 // nbuf, nc1 // nbuf)
        for b in range(nbuf):
            gather(b, b)

        def group(gi, carry):
            for b in range(nbuf):
                j = gi * nbuf + b
                consume(j, b)
                gather(j + nbuf, b)
            return carry

        lax.fori_loop(0, ngroups - 1, group, 0, unroll=False)
        for b in range(nbuf):
            consume((ngroups - 1) * nbuf + b, b)
        plsc.subcore_barrier()
        pltpu.sync_copy(acc_sh.at[pl.ds(sid * zrows, zrows)],
                        out_hbm.at[cid, pl.ds(sid * zrows, zrows)])

    return k(h, src_w, dst_w, zeros)


def _mm_body(x_ref, w_ref, o_ref):
    o_ref[...] = jnp.dot(x_ref[...], w_ref[...],
                         preferred_element_type=jnp.float32)


def _relu_mm_body(p_ref, w_ref, o_ref):
    g = jnp.maximum(p_ref[0] + p_ref[1], 0.0)
    o = jnp.dot(g, w_ref[...], preferred_element_type=jnp.float32)
    rows = lax.broadcasted_iota(jnp.int32, o.shape, 0)
    o_ref[...] = jnp.where(rows < N, o, 0.0)


def _log_softmax_body(q_ref, o_ref):
    s = q_ref[0] + q_ref[1]
    m = jnp.max(s, axis=1, keepdims=True)
    e = jnp.exp(s - m)
    o_ref[...] = (s - m) - jnp.log(jnp.sum(e, axis=1, keepdims=True))


def _edge_block(s_part, d_part, chunk, nbuf):
    e = s_part.shape[0]
    epw = -(-e // (NS * chunk * nbuf)) * chunk * nbuf
    nc = epw // chunk
    pad = NS * epw - e
    s_w = jnp.concatenate([s_part, jnp.full((pad,), N, jnp.int32)])
    d_w = jnp.concatenate([d_part, jnp.arange(pad, dtype=jnp.int32) % NPAD])
    return s_w.reshape(NS, nc, chunk), d_w.reshape(NS, nc, chunk), nc


def _chunked_edges(src, dst, chunk, nbuf, e0):
    s0, d0, nc0 = _edge_block(src[:e0], dst[:e0], chunk, nbuf)
    s1, d1, nc1 = _edge_block(src[e0:], dst[e0:], chunk, nbuf)
    nmax = max(nc0, nc1)
    s0 = jnp.pad(s0, ((0, 0), (0, nmax - nc0), (0, 0)))
    d0 = jnp.pad(d0, ((0, 0), (0, nmax - nc0), (0, 0)))
    s1 = jnp.pad(s1, ((0, 0), (0, nmax - nc1), (0, 0)))
    d1 = jnp.pad(d1, ((0, 0), (0, nmax - nc1), (0, 0)))
    src_w = jnp.concatenate([s0, s1], axis=0)
    dst_w = jnp.concatenate([d0, d1], axis=0)
    return src_w, dst_w, (nc0, nc1)


def kernel(x, edge_index, W1, W2):
    src = edge_index[0].astype(jnp.int32)
    dst = edge_index[1].astype(jnp.int32)
    src1, dst1, ncp1 = _chunked_edges(src, dst, 64, 2, 92160)
    src2, dst2, ncp2 = _chunked_edges(src, dst, 128, 4, 99840)

    z_h = jnp.zeros((NPAD, D_H), jnp.float32)
    z_o = jnp.zeros((NPAD, D_OUT), jnp.float32)

    x_pad = jnp.concatenate([x, jnp.zeros((8, D_IN), jnp.float32)])
    h = pl.pallas_call(
        _mm_body,
        out_shape=jax.ShapeDtypeStruct((N + 8, D_H), jnp.float32),
    )(x_pad, W1)
    p = _seg_sum_sc(h, src1, dst1, z_h, D_H, nbuf=2, nc_pair=ncp1)

    h2 = pl.pallas_call(
        _relu_mm_body,
        out_shape=jax.ShapeDtypeStruct((NPAD, D_OUT), jnp.float32),
    )(p, W2)
    q = _seg_sum_sc(h2, src2, dst2, z_o, D_OUT, nbuf=4, nc_pair=ncp2)

    out = pl.pallas_call(
        _log_softmax_body,
        out_shape=jax.ShapeDtypeStruct((NPAD, D_OUT), jnp.float32),
    )(q)
    return out[:N]

# --- scband reference (transcript-rebuilt; emitter-appended) ---
"""Pipeline reference for scband-vanilla-gnn-88536455840523 (READ-ONLY COPY).

The authoritative reference and input builder live on the scoring server;
editing this copy changes nothing except your own understanding.
"""

import jax, jax.numpy as jnp
import numpy as np

N = 10000
E = 320000
D_IN = 128
D_H = 128
D_OUT = 64


def setup_inputs(seed: int = 0) -> dict:
    key = jax.random.key(seed)
    k1, k2, k3, k4 = jax.random.split(key, 4)
    x = jax.random.normal(k1, (N, D_IN), dtype=jnp.float32)
    edge_index = jax.random.randint(k2, (2, E), 0, N).astype(jnp.int64)
    # learned parameters for the two bias-free linear layers (VanillaGNNLayer)
    W1 = jax.random.normal(k3, (D_IN, D_H), dtype=jnp.float32) * (1.0 / np.sqrt(D_IN))
    W2 = jax.random.normal(k4, (D_H, D_OUT), dtype=jnp.float32) * (1.0 / np.sqrt(D_H))
    return {"x": x, "edge_index": edge_index, "W1": W1, "W2": W2}


def reference(x, edge_index, W1, W2):
    # adjacency is a binary sparse [N, N] matrix with A[dst, src] = 1 per edge;
    # torch.sparse.mm(adjacency, h) == scatter-add of h[src] into dst rows.
    src = edge_index[0]
    dst = edge_index[1]
    # layer 1: linear (no bias) then sparse aggregation
    h = x @ W1
    h = jax.ops.segment_sum(jnp.take(h, src, axis=0), dst, num_segments=N)
    h = jax.nn.relu(h)
    # layer 2: linear (no bias) then sparse aggregation
    h = h @ W2
    h = jax.ops.segment_sum(jnp.take(h, src, axis=0), dst, num_segments=N)
    return jax.nn.log_softmax(h, axis=1)

if __name__ == "__main__":
    import jax
    _d = setup_inputs()
    print(jax.jit(kernel)(*tuple(_d.values())))

</pallas_src>

<mosaic_0001>
#map = affine_map<(d0, d1) -> (0, 0)>
#map1 = affine_map<(d0, d1) -> (0, 0, 0)>
module attributes {stable_mosaic.version = 14 : i64} {
  func.func @k(%arg0: i32, %arg1: i32, %arg2: memref<10008x128xf32, #tpu.memory_space<hbm>>, %arg3: memref<32x224x64xi32, #tpu.memory_space<hbm>>, %arg4: memref<32x224x64xi32, #tpu.memory_space<hbm>>, %arg5: memref<10112x128xf32, #tpu.memory_space<hbm>>, %arg6: memref<2x10112x128xf32, #tpu.memory_space<hbm>>, %arg7: memref<224x64xi32, #tpu.memory_space<vmem>>, %arg8: memref<224x64xi32, #tpu.memory_space<vmem>>, %arg9: memref<2x64x128xf32, #tpu.memory_space<vmem>>, %arg10: memref<10112x128xf32, #tpu.memory_space<vmem_shared>>, %arg11: memref<2x!tpu.dma_semaphore, #tpu.memory_space<semaphore_mem>>) attributes {dimension_semantics = [#tpu.dimension_semantics<core_parallel>, #tpu.dimension_semantics<subcore_parallel>], iteration_bounds = array<i64: 2, 16>, scalar_prefetch = 0 : i64, scratch_operands = 5 : i64, tpu.core_type = #tpu.core_type<sc_vector_subcore>, window_params = [{transform_indices = #map}, {transform_indices = #map1}, {transform_indices = #map1}, {transform_indices = #map}, {transform_indices = #map1}]} {
    %mul3A = arith.constant 16 : i32
    %mul3A_0 = arith.muli %arg0, %mul3A : i32
    %add3A = arith.addi %mul3A_0, %arg1 : i32
    %mul3A_1 = arith.constant 632 : i32
    %mul3A_2 = arith.muli %arg1, %mul3A_1 : i32
    %mul3A_3 = arith.constant 632 : i32
    %mul3A_4 = arith.muli %arg1, %mul3A_3 : i32
    "tpu.region"() ({
      %run_scoped3A_91 = tpu.sem_alloc : memref<!tpu.dma_semaphore, #tpu.memory_space<semaphore_mem>>
      %dma_start3A_92 = arith.constant 0 : i32
      %dma_start3A_93 = tpu.memref_slice %arg10[%mul3A_4, %dma_start3A_92] : memref<10112x128xf32, #tpu.memory_space<vmem_shared>> -> memref<632x128xf32, #tpu.memory_space<vmem_shared>>
      %dma_start3A_94 = arith.constant 0 : i32
      %dma_start3A_95 = tpu.memref_slice %arg5[%mul3A_2, %dma_start3A_94] : memref<10112x128xf32, #tpu.memory_space<hbm>> -> memref<632x128xf32, #tpu.memory_space<hbm>>
      tpu.enqueue_dma source(%dma_start3A_95 : memref<632x128xf32, #tpu.memory_space<hbm>>) target(%dma_start3A_93 : memref<632x128xf32, #tpu.memory_space<vmem_shared>>) target_semaphore(%run_scoped3A_91 : memref<!tpu.dma_semaphore, #tpu.memory_space<semaphore_mem>>)
      %dma_wait3A_96 = arith.constant 0 : i32
      %dma_wait3A_97 = tpu.memref_slice %arg10[%mul3A_4, %dma_wait3A_96] : memref<10112x128xf32, #tpu.memory_space<vmem_shared>> -> memref<632x128xf32, #tpu.memory_space<vmem_shared>>
      %dma_wait3A_98 = arith.constant 0 : i32
      %dma_wait3A_99 = tpu.memref_slice %arg5[%mul3A_2, %dma_wait3A_98] : memref<10112x128xf32, #tpu.memory_space<hbm>> -> memref<632x128xf32, #tpu.memory_space<hbm>>
      tpu.wait_dma2 semaphore(%run_scoped3A_91 : memref<!tpu.dma_semaphore, #tpu.memory_space<semaphore_mem>>) src(%dma_wait3A_99 : memref<632x128xf32, #tpu.memory_space<hbm>>) dst(%dma_wait3A_97 : memref<632x128xf32, #tpu.memory_space<vmem_shared>>)
      tpu.yield
    }) : () -> ()
    "tpu.region"() ({
      %run_scoped3A_91 = tpu.sem_alloc : memref<!tpu.dma_semaphore, #tpu.memory_space<semaphore_mem>>
      %dma_start3A_92 = arith.constant 0 : i32
      %dma_start3A_93 = arith.constant 0 : i32
      %dma_start3A_94 = tpu.memref_slice %arg3[%add3A, %dma_start3A_92, %dma_start3A_93] : memref<32x224x64xi32, #tpu.memory_space<hbm>> -> memref<1x224x64xi32, #tpu.memory_space<hbm>>
      %dma_start3A_95 = tpu.memref_squeeze %dma_start3A_94 : memref<1x224x64xi32, #tpu.memory_space<hbm>> -> memref<224x64xi32, #tpu.memory_space<hbm>>
      %dma_start3A_96 = arith.constant 0 : i32
      %dma_start3A_97 = arith.constant 0 : i32
      %dma_start3A_98 = tpu.memref_slice %arg3[%add3A, %dma_start3A_96, %dma_start3A_97] : memref<32x224x64xi32, #tpu.memory_space<hbm>> -> memref<1x224x64xi32, #tpu.memory_space<hbm>>
      %dma_start3A_99 = tpu.memref_squeeze %dma_start3A_98 : memref<1x224x64xi32, #tpu.memory_space<hbm>> -> memref<224x64xi32, #tpu.memory_space<hbm>>
      tpu.enqueue_dma source(%dma_start3A_99 : memref<224x64xi32, #tpu.memory_space<hbm>>) target(%arg7 : memref<224x64xi32, #tpu.memory_space<vmem>>) target_semaphore(%run_scoped3A_91 : memref<!tpu.dma_semaphore, #tpu.memory_space<semaphore_mem>>)
      %dma_wait3A_100 = arith.constant 0 : i32
      %dma_wait3A_101 = arith.constant 0 : i32
      %dma_wait3A_102 = tpu.memref_slice %arg3[%add3A, %dma_wait3A_100, %dma_wait3A_101] : memref<32x224x64xi32, #tpu.memory_space<hbm>> -> memref<1x224x64xi32, #tpu.memory_space<hbm>>
      %dma_wait3A_103 = tpu.memref_squeeze %dma_wait3A_102 : memref<1x224x64xi32, #tpu.memory_space<hbm>> -> memref<224x64xi32, #tpu.memory_space<hbm>>
      %dma_wait3A_104 = arith.constant 0 : i32
      %dma_wait3A_105 = arith.constant 0 : i32
      %dma_wait3A_106 = tpu.memref_slice %arg3[%add3A, %dma_wait3A_104, %dma_wait3A_105] : memref<32x224x64xi32, #tpu.memory_space<hbm>> -> memref<1x224x64xi32, #tpu.memory_space<hbm>>
      %dma_wait3A_107 = tpu.memref_squeeze %dma_wait3A_106 : memref<1x224x64xi32, #tpu.memory_space<hbm>> -> memref<224x64xi32, #tpu.memory_space<hbm>>
      tpu.wait_dma2 semaphore(%run_scoped3A_91 : memref<!tpu.dma_semaphore, #tpu.memory_space<semaphore_mem>>) src(%dma_wait3A_107 : memref<224x64xi32, #tpu.memory_space<hbm>>) dst(%arg7 : memref<224x64xi32, #tpu.memory_space<vmem>>)
      tpu.yield
    }) : () -> ()
    "tpu.region"() ({
      %run_scoped3A_91 = tpu.sem_alloc : memref<!tpu.dma_semaphore, #tpu.memory_space<semaphore_mem>>
      %dma_start3A_92 = arith.constant 0 : i32
      %dma_start3A_93 = arith.constant 0 : i32
      %dma_start3A_94 = tpu.memref_slice %arg4[%add3A, %dma_start3A_92, %dma_start3A_93] : memref<32x224x64xi32, #tpu.memory_space<hbm>> -> memref<1x224x64xi32, #tpu.memory_space<hbm>>
      %dma_start3A_95 = tpu.memref_squeeze %dma_start3A_94 : memref<1x224x64xi32, #tpu.memory_space<hbm>> -> memref<224x64xi32, #tpu.memory_space<hbm>>
      %dma_start3A_96 = arith.constant 0 : i32
      %dma_start3A_97 = arith.constant 0 : i32
      %dma_start3A_98 = tpu.memref_slice %arg4[%add3A, %dma_start3A_96, %dma_start3A_97] : memref<32x224x64xi32, #tpu.memory_space<hbm>> -> memref<1x224x64xi32, #tpu.memory_space<hbm>>
      %dma_start3A_99 = tpu.memref_squeeze %dma_start3A_98 : memref<1x224x64xi32, #tpu.memory_space<hbm>> -> memref<224x64xi32, #tpu.memory_space<hbm>>
      tpu.enqueue_dma source(%dma_start3A_99 : memref<224x64xi32, #tpu.memory_space<hbm>>) target(%arg8 : memref<224x64xi32, #tpu.memory_space<vmem>>) target_semaphore(%run_scoped3A_91 : memref<!tpu.dma_semaphore, #tpu.memory_space<semaphore_mem>>)
      %dma_wait3A_100 = arith.constant 0 : i32
      %dma_wait3A_101 = arith.constant 0 : i32
      %dma_wait3A_102 = tpu.memref_slice %arg4[%add3A, %dma_wait3A_100, %dma_wait3A_101] : memref<32x224x64xi32, #tpu.memory_space<hbm>> -> memref<1x224x64xi32, #tpu.memory_space<hbm>>
      %dma_wait3A_103 = tpu.memref_squeeze %dma_wait3A_102 : memref<1x224x64xi32, #tpu.memory_space<hbm>> -> memref<224x64xi32, #tpu.memory_space<hbm>>
      %dma_wait3A_104 = arith.constant 0 : i32
      %dma_wait3A_105 = arith.constant 0 : i32
      %dma_wait3A_106 = tpu.memref_slice %arg4[%add3A, %dma_wait3A_104, %dma_wait3A_105] : memref<32x224x64xi32, #tpu.memory_space<hbm>> -> memref<1x224x64xi32, #tpu.memory_space<hbm>>
      %dma_wait3A_107 = tpu.memref_squeeze %dma_wait3A_106 : memref<1x224x64xi32, #tpu.memory_space<hbm>> -> memref<224x64xi32, #tpu.memory_space<hbm>>
      tpu.wait_dma2 semaphore(%run_scoped3A_91 : memref<!tpu.dma_semaphore, #tpu.memory_space<semaphore_mem>>) src(%dma_wait3A_107 : memref<224x64xi32, #tpu.memory_space<hbm>>) dst(%arg8 : memref<224x64xi32, #tpu.memory_space<vmem>>)
      tpu.yield
    }) : () -> ()
    %barrier3A = arith.constant 0 : index
    tpu.barrier barrier_id(%barrier3A)
    %eq3A = arith.constant 0 : i32
    %eq3A_5 = arith.cmpi eq, %arg0, %eq3A : i32
    %jit3A = arith.constant 45 : i32
    %jit3A_6 = arith.constant 112 : i32
    %select_n3A = arith.select %eq3A_5, %jit3A, %jit3A_6 : i32
    %dma_start3A = arith.constant 0 : i32
    %dma_start3A_7 = arith.constant 0 : i32
    %dma_start3A_8 = arith.constant 0 : i32
    %dma_start3A_9 = arith.constant 0 : i32
    %dma_start3A_10 = arith.constant 0 : i32
    %dma_start3A_11 = tpu.memref_slice %arg9[%dma_start3A_7, %dma_start3A_9, %dma_start3A_10] : memref<2x64x128xf32, #tpu.memory_space<vmem>> -> memref<1x64x128xf32, #tpu.memory_space<vmem>>
    %dma_start3A_12 = tpu.memref_squeeze %dma_start3A_11 : memref<1x64x128xf32, #tpu.memory_space<vmem>> -> memref<64x128xf32, #tpu.memory_space<vmem>>
    %dma_start3A_13 = arith.constant 0 : i32
    %dma_start3A_14 = tpu.memref_slice %arg7[%dma_start3A, %dma_start3A_13] : memref<224x64xi32, #tpu.memory_space<vmem>> -> memref<1x64xi32, #tpu.memory_space<vmem>>
    %dma_start3A_15 = tpu.memref_squeeze %dma_start3A_14 : memref<1x64xi32, #tpu.memory_space<vmem>> -> memref<64xi32, #tpu.memory_space<vmem>>
    %dma_start3A_16 = arith.constant 0 : i32
    %dma_start3A_17 = arith.constant 0 : i32
    %dma_start3A_18 = tpu.memref_slice %arg2[%dma_start3A_16, %dma_start3A_17] : memref<10008x128xf32, #tpu.memory_space<hbm>> -> memref<10008x128xf32, #tpu.memory_space<hbm>>
    %dma_start3A_19 = tpu.memref_slice %arg11[%dma_start3A_8] : memref<2x!tpu.dma_semaphore, #tpu.memory_space<semaphore_mem>> -> memref<1x!tpu.dma_semaphore, #tpu.memory_space<semaphore_mem>>
    %dma_start3A_20 = tpu.memref_squeeze %dma_start3A_19 : memref<1x!tpu.dma_semaphore, #tpu.memory_space<semaphore_mem>> -> memref<!tpu.dma_semaphore, #tpu.memory_space<semaphore_mem>>
    tpu.enqueue_indirect_dma source(%dma_start3A_18 : memref<10008x128xf32, #tpu.memory_space<hbm>>) target(%dma_start3A_12 : memref<64x128xf32, #tpu.memory_space<vmem>>) offsets(%dma_start3A_15 : memref<64xi32, #tpu.memory_space<vmem>>) semaphore(%dma_start3A_20 : memref<!tpu.dma_semaphore, #tpu.memory_space<semaphore_mem>>)
    %dma_start3A_21 = arith.constant 1 : i32
    %dma_start3A_22 = arith.constant 1 : i32
    %dma_start3A_23 = arith.constant 1 : i32
    %dma_start3A_24 = arith.constant 0 : i32
    %dma_start3A_25 = arith.constant 0 : i32
    %dma_start3A_26 = tpu.memref_slice %arg9[%dma_start3A_22, %dma_start3A_24, %dma_start3A_25] : memref<2x64x128xf32, #tpu.memory_space<vmem>> -> memref<1x64x128xf32, #tpu.memory_space<vmem>>
    %dma_start3A_27 = tpu.memref_squeeze %dma_start3A_26 : memref<1x64x128xf32, #tpu.memory_space<vmem>> -> memref<64x128xf32, #tpu.memory_space<vmem>>
    %dma_start3A_28 = arith.constant 0 : i32
    %dma_start3A_29 = tpu.memref_slice %arg7[%dma_start3A_21, %dma_start3A_28] : memref<224x64xi32, #tpu.memory_space<vmem>> -> memref<1x64xi32, #tpu.memory_space<vmem>>
    %dma_start3A_30 = tpu.memref_squeeze %dma_start3A_29 : memref<1x64xi32, #tpu.memory_space<vmem>> -> memref<64xi32, #tpu.memory_space<vmem>>
    %dma_start3A_31 = arith.constant 0 : i32
    %dma_start3A_32 = arith.constant 0 : i32
    %dma_start3A_33 = tpu.memref_slice %arg2[%dma_start3A_31, %dma_start3A_32] : memref<10008x128xf32, #tpu.memory_space<hbm>> -> memref<10008x128xf32, #tpu.memory_space<hbm>>
    %dma_start3A_34 = tpu.memref_slice %arg11[%dma_start3A_23] : memref<2x!tpu.dma_semaphore, #tpu.memory_space<semaphore_mem>> -> memref<1x!tpu.dma_semaphore, #tpu.memory_space<semaphore_mem>>
    %dma_start3A_35 = tpu.memref_squeeze %dma_start3A_34 : memref<1x!tpu.dma_semaphore, #tpu.memory_space<semaphore_mem>> -> memref<!tpu.dma_semaphore, #tpu.memory_space<semaphore_mem>>
    tpu.enqueue_indirect_dma source(%dma_start3A_33 : memref<10008x128xf32, #tpu.memory_space<hbm>>) target(%dma_start3A_27 : memref<64x128xf32, #tpu.memory_space<vmem>>) offsets(%dma_start3A_30 : memref<64xi32, #tpu.memory_space<vmem>>) semaphore(%dma_start3A_35 : memref<!tpu.dma_semaphore, #tpu.memory_space<semaphore_mem>>)
    %sub3A = arith.constant 1 : i32
    %sub3A_36 = arith.subi %select_n3A, %sub3A : i32
    %while3A = arith.constant 0 : i32
    %while3A_37 = arith.constant 0 : i32
    %while3A_38 = arith.subi %sub3A_36, %while3A_37 : i32
    %while3A_39 = arith.addi %while3A_37, %while3A_38 : i32
    %while3A_40 = arith.constant 1 : i32
    %while3A_41 = arith.divsi %while3A_38, %while3A_40 : i32
    %while3A_42 = arith.muli %while3A_41, %while3A_40 : i32
    %while3A_43 = arith.addi %while3A_37, %while3A_42 : i32
    %while3A_44 = arith.constant 1 : i32
    scf.for %while3A_91 = %while3A_37 to %while3A_43 step %while3A_44  : i32 {
      %mul3A_92 = arith.constant 2 : i32
      %mul3A_93 = arith.muli %while3A_91, %mul3A_92 : i32
      %add3A_94 = arith.constant 0 : i32
      %add3A_95 = arith.addi %mul3A_93, %add3A_94 : i32
      %dma_wait3A_96 = arith.constant 0 : i32
      %dma_wait3A_97 = arith.constant 0 : i32
      %dma_wait3A_98 = arith.constant 0 : i32
      %dma_wait3A_99 = arith.constant 0 : i32
      %dma_wait3A_100 = tpu.memref_slice %arg9[%dma_wait3A_96, %dma_wait3A_98, %dma_wait3A_99] : memref<2x64x128xf32, #tpu.memory_space<vmem>> -> memref<1x64x128xf32, #tpu.memory_space<vmem>>
      %dma_wait3A_101 = tpu.memref_squeeze %dma_wait3A_100 : memref<1x64x128xf32, #tpu.memory_space<vmem>> -> memref<64x128xf32, #tpu.memory_space<vmem>>
      %dma_wait3A_102 = arith.constant 0 : i32
      %dma_wait3A_103 = tpu.memref_slice %arg7[%add3A_95, %dma_wait3A_102] : memref<224x64xi32, #tpu.memory_space<vmem>> -> memref<1x64xi32, #tpu.memory_space<vmem>>
      %dma_wait3A_104 = tpu.memref_squeeze %dma_wait3A_103 : memref<1x64xi32, #tpu.memory_space<vmem>> -> memref<64xi32, #tpu.memory_space<vmem>>
      %dma_wait3A_105 = arith.constant 0 : i32
      %dma_wait3A_106 = arith.constant 0 : i32
      %dma_wait3A_107 = tpu.memref_slice %arg2[%dma_wait3A_105, %dma_wait3A_106] : memref<10008x128xf32, #tpu.memory_space<hbm>> -> memref<10008x128xf32, #tpu.memory_space<hbm>>
      %dma_wait3A_108 = tpu.memref_slice %arg11[%dma_wait3A_97] : memref<2x!tpu.dma_semaphore, #tpu.memory_space<semaphore_mem>> -> memref<1x!tpu.dma_semaphore, #tpu.memory_space<semaphore_mem>>
      %dma_wait3A_109 = tpu.memref_squeeze %dma_wait3A_108 : memref<1x!tpu.dma_semaphore, #tpu.memory_space<semaphore_mem>> -> memref<!tpu.dma_semaphore, #tpu.memory_space<semaphore_mem>>
      tpu.wait_indirect_dma semaphore(%dma_wait3A_109 : memref<!tpu.dma_semaphore, #tpu.memory_space<semaphore_mem>>) src(%dma_wait3A_107 : memref<10008x128xf32, #tpu.memory_space<hbm>>) dst(%dma_wait3A_101 : memref<64x128xf32, #tpu.memory_space<vmem>>)
      %run_scoped3A_110 = arith.constant 0 : i32
      "tpu.region"() ({
        %run_scoped3A_162 = tpu.sem_alloc : memref<!tpu.dma_semaphore, #tpu.memory_space<semaphore_mem>>
        %dma_start3A_163 = arith.constant 0 : i32
        %dma_start3A_164 = arith.constant 0 : i32
        %dma_start3A_165 = tpu.memref_slice %arg9[%run_scoped3A_110, %dma_start3A_163, %dma_start3A_164] : memref<2x64x128xf32, #tpu.memory_space<vmem>> -> memref<1x64x128xf32, #tpu.memory_space<vmem>>
        %dma_start3A_166 = tpu.memref_squeeze %dma_start3A_165 : memref<1x64x128xf32, #tpu.memory_space<vmem>> -> memref<64x128xf32, #tpu.memory_space<vmem>>
        %dma_start3A_167 = arith.constant 0 : i32
        %dma_start3A_168 = tpu.memref_slice %arg8[%add3A_95, %dma_start3A_167] : memref<224x64xi32, #tpu.memory_space<vmem>> -> memref<1x64xi32, #tpu.memory_space<vmem>>
        %dma_start3A_169 = tpu.memref_squeeze %dma_start3A_168 : memref<1x64xi32, #tpu.memory_space<vmem>> -> memref<64xi32, #tpu.memory_space<vmem>>
        %dma_start3A_170 = arith.constant 0 : i32
        %dma_start3A_171 = arith.constant 0 : i32
        %dma_start3A_172 = tpu.memref_slice %arg10[%dma_start3A_170, %dma_start3A_171] : memref<10112x128xf32, #tpu.memory_space<vmem_shared>> -> memref<10112x128xf32, #tpu.memory_space<vmem_shared>>
        tpu.enqueue_indirect_dma source(%dma_start3A_166 : memref<64x128xf32, #tpu.memory_space<vmem>>) target(%dma_start3A_172 : memref<10112x128xf32, #tpu.memory_space<vmem_shared>>) offsets(%dma_start3A_169 : memref<64xi32, #tpu.memory_space<vmem>>) semaphore(%run_scoped3A_162 : memref<!tpu.dma_semaphore, #tpu.memory_space<semaphore_mem>>) {add = true}
        %dma_wait3A_173 = arith.constant 0 : i32
        %dma_wait3A_174 = arith.constant 0 : i32
        %dma_wait3A_175 = tpu.memref_slice %arg9[%run_scoped3A_110, %dma_wait3A_173, %dma_wait3A_174] : memref<2x64x128xf32, #tpu.memory_space<vmem>> -> memref<1x64x128xf32, #tpu.memory_space<vmem>>
        %dma_wait3A_176 = tpu.memref_squeeze %dma_wait3A_175 : memref<1x64x128xf32, #tpu.memory_space<vmem>> -> memref<64x128xf32, #tpu.memory_space<vmem>>
        %dma_wait3A_177 = arith.constant 0 : i32
        %dma_wait3A_178 = tpu.memref_slice %arg8[%add3A_95, %dma_wait3A_177] : memref<224x64xi32, #tpu.memory_space<vmem>> -> memref<1x64xi32, #tpu.memory_space<vmem>>
        %dma_wait3A_179 = tpu.memref_squeeze %dma_wait3A_178 : memref<1x64xi32, #tpu.memory_space<vmem>> -> memref<64xi32, #tpu.memory_space<vmem>>
        %dma_wait3A_180 = arith.constant 0 : i32
        %dma_wait3A_181 = arith.constant 0 : i32
        %dma_wait3A_182 = tpu.memref_slice %arg10[%dma_wait3A_180, %dma_wait3A_181] : memref<10112x128xf32, #tpu.memory_space<vmem_shared>> -> memref<10112x128xf32, #tpu.memory_space<vmem_shared>>
        tpu.wait_indirect_dma semaphore(%run_scoped3A_162 : memref<!tpu.dma_semaphore, #tpu.memory_space<semaphore_mem>>) src(%dma_wait3A_176 : memref<64x128xf32, #tpu.memory_space<vmem>>) dst(%dma_wait3A_182 : memref<10112x128xf32, #tpu.memory_space<vmem_shared>>)
        tpu.yield
      }) : () -> ()
      %add3A_111 = arith.constant 2 : i32
      %add3A_112 = arith.addi %add3A_95, %add3A_111 : i32
      %dma_start3A_113 = arith.constant 0 : i32
      %dma_start3A_114 = arith.constant 0 : i32
      %dma_start3A_115 = arith.constant 0 : i32
      %dma_start3A_116 = arith.constant 0 : i32
      %dma_start3A_117 = tpu.memref_slice %arg9[%dma_start3A_113, %dma_start3A_115, %dma_start3A_116] : memref<2x64x128xf32, #tpu.memory_space<vmem>> -> memref<1x64x128xf32, #tpu.memory_space<vmem>>
      %dma_start3A_118 = tpu.memref_squeeze %dma_start3A_117 : memref<1x64x128xf32, #tpu.memory_space<vmem>> -> memref<64x128xf32, #tpu.memory_space<vmem>>
      %dma_start3A_119 = arith.constant 0 : i32
      %dma_start3A_120 = tpu.memref_slice %arg7[%add3A_112, %dma_start3A_119] : memref<224x64xi32, #tpu.memory_space<vmem>> -> memref<1x64xi32, #tpu.memory_space<vmem>>
      %dma_start3A_121 = tpu.memref_squeeze %dma_start3A_120 : memref<1x64xi32, #tpu.memory_space<vmem>> -> memref<64xi32, #tpu.memory_space<vmem>>
      %dma_start3A_122 = arith.constant 0 : i32
      %dma_start3A_123 = arith.constant 0 : i32
      %dma_start3A_124 = tpu.memref_slice %arg2[%dma_start3A_122, %dma_start3A_123] : memref<10008x128xf32, #tpu.memory_space<hbm>> -> memref<10008x128xf32, #tpu.memory_space<hbm>>
      %dma_start3A_125 = tpu.memref_slice %arg11[%dma_start3A_114] : memref<2x!tpu.dma_semaphore, #tpu.memory_space<semaphore_mem>> -> memref<1x!tpu.dma_semaphore, #tpu.memory_space<semaphore_mem>>
      %dma_start3A_126 = tpu.memref_squeeze %dma_start3A_125 : memref<1x!tpu.dma_semaphore, #tpu.memory_space<semaphore_mem>> -> memref<!tpu.dma_semaphore, #tpu.memory_space<semaphore_mem>>
      tpu.enqueue_indirect_dma source(%dma_start3A_124 : memref<10008x128xf32, #tpu.memory_space<hbm>>) target(%dma_start3A_118 : memref<64x128xf32, #tpu.memory_space<vmem>>) offsets(%dma_start3A_121 : memref<64xi32, #tpu.memory_space<vmem>>) semaphore(%dma_start3A_126 : memref<!tpu.dma_semaphore, #tpu.memory_space<semaphore_mem>>)
      %mul3A_127 = arith.constant 2 : i32
      %mul3A_128 = arith.muli %while3A_91, %mul3A_127 : i32
      %add3A_129 = arith.constant 1 : i32
      %add3A_130 = arith.addi %mul3A_128, %add3A_129 : i32
      %dma_wait3A_131 = arith.constant 1 : i32
      %dma_wait3A_132 = arith.constant 1 : i32
      %dma_wait3A_133 = arith.constant 0 : i32
      %dma_wait3A_134 = arith.constant 0 : i32
      %dma_wait3A_135 = tpu.memref_slice %arg9[%dma_wait3A_131, %dma_wait3A_133, %dma_wait3A_134] : memref<2x64x128xf32, #tpu.memory_space<vmem>> -> memref<1x64x128xf32, #tpu.memory_space<vmem>>
      %dma_wait3A_136 = tpu.memref_squeeze %dma_wait3A_135 : memref<1x64x128xf32, #tpu.memory_space<vmem>> -> memref<64x128xf32, #tpu.memory_space<vmem>>
      %dma_wait3A_137 = arith.constant 0 : i32
      %dma_wait3A_138 = tpu.memref_slice %arg7[%add3A_130, %dma_wait3A_137] : memref<224x64xi32, #tpu.memory_space<vmem>> -> memref<1x64xi32, #tpu.memory_space<vmem>>
      %dma_wait3A_139 = tpu.memref_squeeze %dma_wait3A_138 : memref<1x64xi32, #tpu.memory_space<vmem>> -> memref<64xi32, #tpu.memory_space<vmem>>
      %dma_wait3A_140 = arith.constant 0 : i32
      %dma_wait3A_141 = arith.constant 0 : i32
      %dma_wait3A_142 = tpu.memref_slice %arg2[%dma_wait3A_140, %dma_wait3A_141] : memref<10008x128xf32, #tpu.memory_space<hbm>> -> memref<10008x128xf32, #tpu.memory_space<hbm>>
      %dma_wait3A_143 = tpu.memref_slice %arg11[%dma_wait3A_132] : memref<2x!tpu.dma_semaphore, #tpu.memory_space<semaphore_mem>> -> memref<1x!tpu.dma_semaphore, #tpu.memory_space<semaphore_mem>>
      %dma_wait3A_144 = tpu.memref_squeeze %dma_wait3A_143 : memref<1x!tpu.dma_semaphore, #tpu.memory_space<semaphore_mem>> -> memref<!tpu.dma_semaphore, #tpu.memory_space<semaphore_mem>>
      tpu.wait_indirect_dma semaphore(%dma_wait3A_144 : memref<!tpu.dma_semaphore, #tpu.memory_space<semaphore_mem>>) src(%dma_wait3A_142 : memref<10008x128xf32, #tpu.memory_space<hbm>>) dst(%dma_wait3A_136 : memref<64x128xf32, #tpu.memory_space<vmem>>)
      %run_scoped3A_145 = arith.constant 1 : i32
      "tpu.region"() ({
        %run_scoped3A_162 = tpu.sem_alloc : memref<!tpu.dma_semaphore, #tpu.memory_space<semaphore_mem>>
        %dma_start3A_163 = arith.constant 0 : i32
        %dma_start3A_164 = arith.constant 0 : i32
        %dma_start3A_165 = tpu.memref_slice %arg9[%run_scoped3A_145, %dma_start3A_163, %dma_start3A_164] : memref<2x64x128xf32, #tpu.memory_space<vmem>> -> memref<1x64x128xf32, #tpu.memory_space<vmem>>
        %dma_start3A_166 = tpu.memref_squeeze %dma_start3A_165 : memref<1x64x128xf32, #tpu.memory_space<vmem>> -> memref<64x128xf32, #tpu.memory_space<vmem>>
        %dma_start3A_167 = arith.constant 0 : i32
        %dma_start3A_168 = tpu.memref_slice %arg8[%add3A_130, %dma_start3A_167] : memref<224x64xi32, #tpu.memory_space<vmem>> -> memref<1x64xi32, #tpu.memory_space<vmem>>
        %dma_start3A_169 = tpu.memref_squeeze %dma_start3A_168 : memref<1x64xi32, #tpu.memory_space<vmem>> -> memref<64xi32, #tpu.memory_space<vmem>>
        %dma_start3A_170 = arith.constant 0 : i32
        %dma_start3A_171 = arith.constant 0 : i32
        %dma_start3A_172 = tpu.memref_slice %arg10[%dma_start3A_170, %dma_start3A_171] : memref<10112x128xf32, #tpu.memory_space<vmem_shared>> -> memref<10112x128xf32, #tpu.memory_space<vmem_shared>>
        tpu.enqueue_indirect_dma source(%dma_start3A_166 : memref<64x128xf32, #tpu.memory_space<vmem>>) target(%dma_start3A_172 : memref<10112x128xf32, #tpu.memory_space<vmem_shared>>) offsets(%dma_start3A_169 : memref<64xi32, #tpu.memory_space<vmem>>) semaphore(%run_scoped3A_162 : memref<!tpu.dma_semaphore, #tpu.memory_space<semaphore_mem>>) {add = true}
        %dma_wait3A_173 = arith.constant 0 : i32
        %dma_wait3A_174 = arith.constant 0 : i32
        %dma_wait3A_175 = tpu.memref_slice %arg9[%run_scoped3A_145, %dma_wait3A_173, %dma_wait3A_174] : memref<2x64x128xf32, #tpu.memory_space<vmem>> -> memref<1x64x128xf32, #tpu.memory_space<vmem>>
        %dma_wait3A_176 = tpu.memref_squeeze %dma_wait3A_175 : memref<1x64x128xf32, #tpu.memory_space<vmem>> -> memref<64x128xf32, #tpu.memory_space<vmem>>
        %dma_wait3A_177 = arith.constant 0 : i32
        %dma_wait3A_178 = tpu.memref_slice %arg8[%add3A_130, %dma_wait3A_177] : memref<224x64xi32, #tpu.memory_space<vmem>> -> memref<1x64xi32, #tpu.memory_space<vmem>>
        %dma_wait3A_179 = tpu.memref_squeeze %dma_wait3A_178 : memref<1x64xi32, #tpu.memory_space<vmem>> -> memref<64xi32, #tpu.memory_space<vmem>>
        %dma_wait3A_180 = arith.constant 0 : i32
        %dma_wait3A_181 = arith.constant 0 : i32
        %dma_wait3A_182 = tpu.memref_slice %arg10[%dma_wait3A_180, %dma_wait3A_181] : memref<10112x128xf32, #tpu.memory_space<vmem_shared>> -> memref<10112x128xf32, #tpu.memory_space<vmem_shared>>
        tpu.wait_indirect_dma semaphore(%run_scoped3A_162 : memref<!tpu.dma_semaphore, #tpu.memory_space<semaphore_mem>>) src(%dma_wait3A_176 : memref<64x128xf32, #tpu.memory_space<vmem>>) dst(%dma_wait3A_182 : memref<10112x128xf32, #tpu.memory_space<vmem_shared>>)
        tpu.yield
      }) : () -> ()
      %add3A_146 = arith.constant 2 : i32
      %add3A_147 = arith.addi %add3A_130, %add3A_146 : i32
      %dma_start3A_148 = arith.constant 1 : i32
      %dma_start3A_149 = arith.constant 1 : i32
      %dma_start3A_150 = arith.constant 0 : i32
      %dma_start3A_151 = arith.constant 0 : i32
      %dma_start3A_152 = tpu.memref_slice %arg9[%dma_start3A_148, %dma_start3A_150, %dma_start3A_151] : memref<2x64x128xf32, #tpu.memory_space<vmem>> -> memref<1x64x128xf32, #tpu.memory_space<vmem>>
      %dma_start3A_153 = tpu.memref_squeeze %dma_start3A_152 : memref<1x64x128xf32, #tpu.memory_space<vmem>> -> memref<64x128xf32, #tpu.memory_space<vmem>>
      %dma_start3A_154 = arith.constant 0 : i32
      %dma_start3A_155 = tpu.memref_slice %arg7[%add3A_147, %dma_start3A_154] : memref<224x64xi32, #tpu.memory_space<vmem>> -> memref<1x64xi32, #tpu.memory_space<vmem>>
      %dma_start3A_156 = tpu.memref_squeeze %dma_start3A_155 : memref<1x64xi32, #tpu.memory_space<vmem>> -> memref<64xi32, #tpu.memory_space<vmem>>
      %dma_start3A_157 = arith.constant 0 : i32
      %dma_start3A_158 = arith.constant 0 : i32
      %dma_start3A_159 = tpu.memref_slice %arg2[%dma_start3A_157, %dma_start3A_158] : memref<10008x128xf32, #tpu.memory_space<hbm>> -> memref<10008x128xf32, #tpu.memory_space<hbm>>
      %dma_start3A_160 = tpu.memref_slice %arg11[%dma_start3A_149] : memref<2x!tpu.dma_semaphore, #tpu.memory_space<semaphore_mem>> -> memref<1x!tpu.dma_semaphore, #tpu.memory_space<semaphore_mem>>
      %dma_start3A_161 = tpu.memref_squeeze %dma_start3A_160 : memref<1x!tpu.dma_semaphore, #tpu.memory_space<semaphore_mem>> -> memref<!tpu.dma_semaphore, #tpu.memory_space<semaphore_mem>>
      tpu.enqueue_indirect_dma source(%dma_start3A_159 : memref<10008x128xf32, #tpu.memory_space<hbm>>) target(%dma_start3A_153 : memref<64x128xf32, #tpu.memory_space<vmem>>) offsets(%dma_start3A_156 : memref<64xi32, #tpu.memory_space<vmem>>) semaphore(%dma_start3A_161 : memref<!tpu.dma_semaphore, #tpu.memory_space<semaphore_mem>>)
    }
    %while3A_45 = arith.constant 1 : i32
    scf.for %while3A_91 = %while3A_43 to %while3A_39 step %while3A_45  : i32 {
      %mul3A_92 = arith.constant 2 : i32
      %mul3A_93 = arith.muli %while3A_91, %mul3A_92 : i32
      %add3A_94 = arith.constant 0 : i32
      %add3A_95 = arith.addi %mul3A_93, %add3A_94 : i32
      %dma_wait3A_96 = arith.constant 0 : i32
      %dma_wait3A_97 = arith.constant 0 : i32
      %dma_wait3A_98 = arith.constant 0 : i32
      %dma_wait3A_99 = arith.constant 0 : i32
      %dma_wait3A_100 = tpu.memref_slice %arg9[%dma_wait3A_96, %dma_wait3A_98, %dma_wait3A_99] : memref<2x64x128xf32, #tpu.memory_space<vmem>> -> memref<1x64x128xf32, #tpu.memory_space<vmem>>
      %dma_wait3A_101 = tpu.memref_squeeze %dma_wait3A_100 : memref<1x64x128xf32, #tpu.memory_space<vmem>> -> memref<64x128xf32, #tpu.memory_space<vmem>>
      %dma_wait3A_102 = arith.constant 0 : i32
      %dma_wait3A_103 = tpu.memref_slice %arg7[%add3A_95, %dma_wait3A_102] : memref<224x64xi32, #tpu.memory_space<vmem>> -> memref<1x64xi32, #tpu.memory_space<vmem>>
      %dma_wait3A_104 = tpu.memref_squeeze %dma_wait3A_103 : memref<1x64xi32, #tpu.memory_space<vmem>> -> memref<64xi32, #tpu.memory_space<vmem>>
      %dma_wait3A_105 = arith.constant 0 : i32
      %dma_wait3A_106 = arith.constant 0 : i32
      %dma_wait3A_107 = tpu.memref_slice %arg2[%dma_wait3A_105, %dma_wait3A_106] : memref<10008x128xf32, #tpu.memory_space<hbm>> -> memref<10008x128xf32, #tpu.memory_space<hbm>>
      %dma_wait3A_108 = tpu.memref_slice %arg11[%dma_wait3A_97] : memref<2x!tpu.dma_semaphore, #tpu.memory_space<semaphore_mem>> -> memref<1x!tpu.dma_semaphore, #tpu.memory_space<semaphore_mem>>
      %dma_wait3A_109 = tpu.memref_squeeze %dma_wait3A_108 : memref<1x!tpu.dma_semaphore, #tpu.memory_space<semaphore_mem>> -> memref<!tpu.dma_semaphore, #tpu.memory_space<semaphore_mem>>
      tpu.wait_indirect_dma semaphore(%dma_wait3A_109 : memref<!tpu.dma_semaphore, #tpu.memory_space<semaphore_mem>>) src(%dma_wait3A_107 : memref<10008x128xf32, #tpu.memory_space<hbm>>) dst(%dma_wait3A_101 : memref<64x128xf32, #tpu.memory_space<vmem>>)
      %run_scoped3A_110 = arith.constant 0 : i32
      "tpu.region"() ({
        %run_scoped3A_162 = tpu.sem_alloc : memref<!tpu.dma_semaphore, #tpu.memory_space<semaphore_mem>>
        %dma_start3A_163 = arith.constant 0 : i32
        %dma_start3A_164 = arith.constant 0 : i32
        %dma_start3A_165 = tpu.memref_slice %arg9[%run_scoped3A_110, %dma_start3A_163, %dma_start3A_164] : memref<2x64x128xf32, #tpu.memory_space<vmem>> -> memref<1x64x128xf32, #tpu.memory_space<vmem>>
        %dma_start3A_166 = tpu.memref_squeeze %dma_start3A_165 : memref<1x64x128xf32, #tpu.memory_space<vmem>> -> memref<64x128xf32, #tpu.memory_space<vmem>>
        %dma_start3A_167 = arith.constant 0 : i32
        %dma_start3A_168 = tpu.memref_slice %arg8[%add3A_95, %dma_start3A_167] : memref<224x64xi32, #tpu.memory_space<vmem>> -> memref<1x64xi32, #tpu.memory_space<vmem>>
        %dma_start3A_169 = tpu.memref_squeeze %dma_start3A_168 : memref<1x64xi32, #tpu.memory_space<vmem>> -> memref<64xi32, #tpu.memory_space<vmem>>
        %dma_start3A_170 = arith.constant 0 : i32
        %dma_start3A_171 = arith.constant 0 : i32
        %dma_start3A_172 = tpu.memref_slice %arg10[%dma_start3A_170, %dma_start3A_171] : memref<10112x128xf32, #tpu.memory_space<vmem_shared>> -> memref<10112x128xf32, #tpu.memory_space<vmem_shared>>
        tpu.enqueue_indirect_dma source(%dma_start3A_166 : memref<64x128xf32, #tpu.memory_space<vmem>>) target(%dma_start3A_172 : memref<10112x128xf32, #tpu.memory_space<vmem_shared>>) offsets(%dma_start3A_169 : memref<64xi32, #tpu.memory_space<vmem>>) semaphore(%run_scoped3A_162 : memref<!tpu.dma_semaphore, #tpu.memory_space<semaphore_mem>>) {add = true}
        %dma_wait3A_173 = arith.constant 0 : i32
        %dma_wait3A_174 = arith.constant 0 : i32
        %dma_wait3A_175 = tpu.memref_slice %arg9[%run_scoped3A_110, %dma_wait3A_173, %dma_wait3A_174] : memref<2x64x128xf32, #tpu.memory_space<vmem>> -> memref<1x64x128xf32, #tpu.memory_space<vmem>>
        %dma_wait3A_176 = tpu.memref_squeeze %dma_wait3A_175 : memref<1x64x128xf32, #tpu.memory_space<vmem>> -> memref<64x128xf32, #tpu.memory_space<vmem>>
        %dma_wait3A_177 = arith.constant 0 : i32
        %dma_wait3A_178 = tpu.memref_slice %arg8[%add3A_95, %dma_wait3A_177] : memref<224x64xi32, #tpu.memory_space<vmem>> -> memref<1x64xi32, #tpu.memory_space<vmem>>
        %dma_wait3A_179 = tpu.memref_squeeze %dma_wait3A_178 : memref<1x64xi32, #tpu.memory_space<vmem>> -> memref<64xi32, #tpu.memory_space<vmem>>
        %dma_wait3A_180 = arith.constant 0 : i32
        %dma_wait3A_181 = arith.constant 0 : i32
        %dma_wait3A_182 = tpu.memref_slice %arg10[%dma_wait3A_180, %dma_wait3A_181] : memref<10112x128xf32, #tpu.memory_space<vmem_shared>> -> memref<10112x128xf32, #tpu.memory_space<vmem_shared>>
        tpu.wait_indirect_dma semaphore(%run_scoped3A_162 : memref<!tpu.dma_semaphore, #tpu.memory_space<semaphore_mem>>) src(%dma_wait3A_176 : memref<64x128xf32, #tpu.memory_space<vmem>>) dst(%dma_wait3A_182 : memref<10112x128xf32, #tpu.memory_space<vmem_shared>>)
        tpu.yield
      }) : () -> ()
      %add3A_111 = arith.constant 2 : i32
      %add3A_112 = arith.addi %add3A_95, %add3A_111 : i32
      %dma_start3A_113 = arith.constant 0 : i32
      %dma_start3A_114 = arith.constant 0 : i32
      %dma_start3A_115 = arith.constant 0 : i32
      %dma_start3A_116 = arith.constant 0 : i32
      %dma_start3A_117 = tpu.memref_slice %arg9[%dma_start3A_113, %dma_start3A_115, %dma_start3A_116] : memref<2x64x128xf32, #tpu.memory_space<vmem>> -> memref<1x64x128xf32, #tpu.memory_space<vmem>>
      %dma_start3A_118 = tpu.memref_squeeze %dma_start3A_117 : memref<1x64x128xf32, #tpu.memory_space<vmem>> -> memref<64x128xf32, #tpu.memory_space<vmem>>
      %dma_start3A_119 = arith.constant 0 : i32
      %dma_start3A_120 = tpu.memref_slice %arg7[%add3A_112, %dma_start3A_119] : memref<224x64xi32, #tpu.memory_space<vmem>> -> memref<1x64xi32, #tpu.memory_space<vmem>>
      %dma_start3A_121 = tpu.memref_squeeze %dma_start3A_120 : memref<1x64xi32, #tpu.memory_space<vmem>> -> memref<64xi32, #tpu.memory_space<vmem>>
      %dma_start3A_122 = arith.constant 0 : i32
      %dma_start3A_123 = arith.constant 0 : i32
      %dma_start3A_124 = tpu.memref_slice %arg2[%dma_start3A_122, %dma_start3A_123] : memref<10008x128xf32, #tpu.memory_space<hbm>> -> memref<10008x128xf32, #tpu.memory_space<hbm>>
      %dma_start3A_125 = tpu.memref_slice %arg11[%dma_start3A_114] : memref<2x!tpu.dma_semaphore, #tpu.memory_space<semaphore_mem>> -> memref<1x!tpu.dma_semaphore, #tpu.memory_space<semaphore_mem>>
      %dma_start3A_126 = tpu.memref_squeeze %dma_start3A_125 : memref<1x!tpu.dma_semaphore, #tpu.memory_space<semaphore_mem>> -> memref<!tpu.dma_semaphore, #tpu.memory_space<semaphore_mem>>
      tpu.enqueue_indirect_dma source(%dma_start3A_124 : memref<10008x128xf32, #tpu.memory_space<hbm>>) target(%dma_start3A_118 : memref<64x128xf32, #tpu.memory_space<vmem>>) offsets(%dma_start3A_121 : memref<64xi32, #tpu.memory_space<vmem>>) semaphore(%dma_start3A_126 : memref<!tpu.dma_semaphore, #tpu.memory_space<semaphore_mem>>)
      %mul3A_127 = arith.constant 2 : i32
      %mul3A_128 = arith.muli %while3A_91, %mul3A_127 : i32
      %add3A_129 = arith.constant 1 : i32
      %add3A_130 = arith.addi %mul3A_128, %add3A_129 : i32
      %dma_wait3A_131 = arith.constant 1 : i32
      %dma_wait3A_132 = arith.constant 1 : i32
      %dma_wait3A_133 = arith.constant 0 : i32
      %dma_wait3A_134 = arith.constant 0 : i32
      %dma_wait3A_135 = tpu.memref_slice %arg9[%dma_wait3A_131, %dma_wait3A_133, %dma_wait3A_134] : memref<2x64x128xf32, #tpu.memory_space<vmem>> -> memref<1x64x128xf32, #tpu.memory_space<vmem>>
      %dma_wait3A_136 = tpu.memref_squeeze %dma_wait3A_135 : memref<1x64x128xf32, #tpu.memory_space<vmem>> -> memref<64x128xf32, #tpu.memory_space<vmem>>
      %dma_wait3A_137 = arith.constant 0 : i32
      %dma_wait3A_138 = tpu.memref_slice %arg7[%add3A_130, %dma_wait3A_137] : memref<224x64xi32, #tpu.memory_space<vmem>> -> memref<1x64xi32, #tpu.memory_space<vmem>>
      %dma_wait3A_139 = tpu.memref_squeeze %dma_wait3A_138 : memref<1x64xi32, #tpu.memory_space<vmem>> -> memref<64xi32, #tpu.memory_space<vmem>>
      %dma_wait3A_140 = arith.constant 0 : i32
      %dma_wait3A_141 = arith.constant 0 : i32
      %dma_wait3A_142 = tpu.memref_slice %arg2[%dma_wait3A_140, %dma_wait3A_141] : memref<10008x128xf32, #tpu.memory_space<hbm>> -> memref<10008x128xf32, #tpu.memory_space<hbm>>
      %dma_wait3A_143 = tpu.memref_slice %arg11[%dma_wait3A_132] : memref<2x!tpu.dma_semaphore, #tpu.memory_space<semaphore_mem>> -> memref<1x!tpu.dma_semaphore, #tpu.memory_space<semaphore_mem>>
      %dma_wait3A_144 = tpu.memref_squeeze %dma_wait3A_143 : memref<1x!tpu.dma_semaphore, #tpu.memory_space<semaphore_mem>> -> memref<!tpu.dma_semaphore, #tpu.memory_space<semaphore_mem>>
      tpu.wait_indirect_dma semaphore(%dma_wait3A_144 : memref<!tpu.dma_semaphore, #tpu.memory_space<semaphore_mem>>) src(%dma_wait3A_142 : memref<10008x128xf32, #tpu.memory_space<hbm>>) dst(%dma_wait3A_136 : memref<64x128xf32, #tpu.memory_space<vmem>>)
      %run_scoped3A_145 = arith.constant 1 : i32
      "tpu.region"() ({
        %run_scoped3A_162 = tpu.sem_alloc : memref<!tpu.dma_semaphore, #tpu.memory_space<semaphore_mem>>
        %dma_start3A_163 = arith.constant 0 : i32
        %dma_start3A_164 = arith.constant 0 : i32
        %dma_start3A_165 = tpu.memref_slice %arg9[%run_scoped3A_145, %dma_start3A_163, %dma_start3A_164] : memref<2x64x128xf32, #tpu.memory_space<vmem>> -> memref<1x64x128xf32, #tpu.memory_space<vmem>>
        %dma_start3A_166 = tpu.memref_squeeze %dma_start3A_165 : memref<1x64x128xf32, #tpu.memory_space<vmem>> -> memref<64x128xf32, #tpu.memory_space<vmem>>
        %dma_start3A_167 = arith.constant 0 : i32
        %dma_start3A_168 = tpu.memref_slice %arg8[%add3A_130, %dma_start3A_167] : memref<224x64xi32, #tpu.memory_space<vmem>> -> memref<1x64xi32, #tpu.memory_space<vmem>>
        %dma_start3A_169 = tpu.memref_squeeze %dma_start3A_168 : memref<1x64xi32, #tpu.memory_space<vmem>> -> memref<64xi32, #tpu.memory_space<vmem>>
        %dma_start3A_170 = arith.constant 0 : i32
        %dma_start3A_171 = arith.constant 0 : i32
        %dma_start3A_172 = tpu.memref_slice %arg10[%dma_start3A_170, %dma_start3A_171] : memref<10112x128xf32, #tpu.memory_space<vmem_shared>> -> memref<10112x128xf32, #tpu.memory_space<vmem_shared>>
        tpu.enqueue_indirect_dma source(%dma_start3A_166 : memref<64x128xf32, #tpu.memory_space<vmem>>) target(%dma_start3A_172 : memref<10112x128xf32, #tpu.memory_space<vmem_shared>>) offsets(%dma_start3A_169 : memref<64xi32, #tpu.memory_space<vmem>>) semaphore(%run_scoped3A_162 : memref<!tpu.dma_semaphore, #tpu.memory_space<semaphore_mem>>) {add = true}
        %dma_wait3A_173 = arith.constant 0 : i32
        %dma_wait3A_174 = arith.constant 0 : i32
        %dma_wait3A_175 = tpu.memref_slice %arg9[%run_scoped3A_145, %dma_wait3A_173, %dma_wait3A_174] : memref<2x64x128xf32, #tpu.memory_space<vmem>> -> memref<1x64x128xf32, #tpu.memory_space<vmem>>
        %dma_wait3A_176 = tpu.memref_squeeze %dma_wait3A_175 : memref<1x64x128xf32, #tpu.memory_space<vmem>> -> memref<64x128xf32, #tpu.memory_space<vmem>>
        %dma_wait3A_177 = arith.constant 0 : i32
        %dma_wait3A_178 = tpu.memref_slice %arg8[%add3A_130, %dma_wait3A_177] : memref<224x64xi32, #tpu.memory_space<vmem>> -> memref<1x64xi32, #tpu.memory_space<vmem>>
        %dma_wait3A_179 = tpu.memref_squeeze %dma_wait3A_178 : memref<1x64xi32, #tpu.memory_space<vmem>> -> memref<64xi32, #tpu.memory_space<vmem>>
        %dma_wait3A_180 = arith.constant 0 : i32
        %dma_wait3A_181 = arith.constant 0 : i32
        %dma_wait3A_182 = tpu.memref_slice %arg10[%dma_wait3A_180, %dma_wait3A_181] : memref<10112x128xf32, #tpu.memory_space<vmem_shared>> -> memref<10112x128xf32, #tpu.memory_space<vmem_shared>>
        tpu.wait_indirect_dma semaphore(%run_scoped3A_162 : memref<!tpu.dma_semaphore, #tpu.memory_space<semaphore_mem>>) src(%dma_wait3A_176 : memref<64x128xf32, #tpu.memory_space<vmem>>) dst(%dma_wait3A_182 : memref<10112x128xf32, #tpu.memory_space<vmem_shared>>)
        tpu.yield
      }) : () -> ()
      %add3A_146 = arith.constant 2 : i32
      %add3A_147 = arith.addi %add3A_130, %add3A_146 : i32
      %dma_start3A_148 = arith.constant 1 : i32
      %dma_start3A_149 = arith.constant 1 : i32
      %dma_start3A_150 = arith.constant 0 : i32
      %dma_start3A_151 = arith.constant 0 : i32
      %dma_start3A_152 = tpu.memref_slice %arg9[%dma_start3A_148, %dma_start3A_150, %dma_start3A_151] : memref<2x64x128xf32, #tpu.memory_space<vmem>> -> memref<1x64x128xf32, #tpu.memory_space<vmem>>
      %dma_start3A_153 = tpu.memref_squeeze %dma_start3A_152 : memref<1x64x128xf32, #tpu.memory_space<vmem>> -> memref<64x128xf32, #tpu.memory_space<vmem>>
      %dma_start3A_154 = arith.constant 0 : i32
      %dma_start3A_155 = tpu.memref_slice %arg7[%add3A_147, %dma_start3A_154] : memref<224x64xi32, #tpu.memory_space<vmem>> -> memref<1x64xi32, #tpu.memory_space<vmem>>
      %dma_start3A_156 = tpu.memref_squeeze %dma_start3A_155 : memref<1x64xi32, #tpu.memory_space<vmem>> -> memref<64xi32, #tpu.memory_space<vmem>>
      %dma_start3A_157 = arith.constant 0 : i32
      %dma_start3A_158 = arith.constant 0 : i32
      %dma_start3A_159 = tpu.memref_slice %arg2[%dma_start3A_157, %dma_start3A_158] : memref<10008x128xf32, #tpu.memory_space<hbm>> -> memref<10008x128xf32, #tpu.memory_space<hbm>>
      %dma_start3A_160 = tpu.memref_slice %arg11[%dma_start3A_149] : memref<2x!tpu.dma_semaphore, #tpu.memory_space<semaphore_mem>> -> memref<1x!tpu.dma_semaphore, #tpu.memory_space<semaphore_mem>>
      %dma_start3A_161 = tpu.memref_squeeze %dma_start3A_160 : memref<1x!tpu.dma_semaphore, #tpu.memory_space<semaphore_mem>> -> memref<!tpu.dma_semaphore, #tpu.memory_space<semaphore_mem>>
      tpu.enqueue_indirect_dma source(%dma_start3A_159 : memref<10008x128xf32, #tpu.memory_space<hbm>>) target(%dma_start3A_153 : memref<64x128xf32, #tpu.memory_space<vmem>>) offsets(%dma_start3A_156 : memref<64xi32, #tpu.memory_space<vmem>>) semaphore(%dma_start3A_161 : memref<!tpu.dma_semaphore, #tpu.memory_space<semaphore_mem>>)
    }
    %sub3A_46 = arith.constant 1 : i32
    %sub3A_47 = arith.subi %select_n3A, %sub3A_46 : i32
    %mul3A_48 = arith.constant 2 : i32
    %mul3A_49 = arith.muli %sub3A_47, %mul3A_48 : i32
    %add3A_50 = arith.constant 0 : i32
    %add3A_51 = arith.addi %mul3A_49, %add3A_50 : i32
    %dma_wait3A = arith.constant 0 : i32
    %dma_wait3A_52 = arith.constant 0 : i32
    %dma_wait3A_53 = arith.constant 0 : i32
    %dma_wait3A_54 = arith.constant 0 : i32
    %dma_wait3A_55 = tpu.memref_slice %arg9[%dma_wait3A, %dma_wait3A_53, %dma_wait3A_54] : memref<2x64x128xf32, #tpu.memory_space<vmem>> -> memref<1x64x128xf32, #tpu.memory_space<vmem>>
    %dma_wait3A_56 = tpu.memref_squeeze %dma_wait3A_55 : memref<1x64x128xf32, #tpu.memory_space<vmem>> -> memref<64x128xf32, #tpu.memory_space<vmem>>
    %dma_wait3A_57 = arith.constant 0 : i32
    %dma_wait3A_58 = tpu.memref_slice %arg7[%add3A_51, %dma_wait3A_57] : memref<224x64xi32, #tpu.memory_space<vmem>> -> memref<1x64xi32, #tpu.memory_space<vmem>>
    %dma_wait3A_59 = tpu.memref_squeeze %dma_wait3A_58 : memref<1x64xi32, #tpu.memory_space<vmem>> -> memref<64xi32, #tpu.memory_space<vmem>>
    %dma_wait3A_60 = arith.constant 0 : i32
    %dma_wait3A_61 = arith.constant 0 : i32
    %dma_wait3A_62 = tpu.memref_slice %arg2[%dma_wait3A_60, %dma_wait3A_61] : memref<10008x128xf32, #tpu.memory_space<hbm>> -> memref<10008x128xf32, #tpu.memory_space<hbm>>
    %dma_wait3A_63 = tpu.memref_slice %arg11[%dma_wait3A_52] : memref<2x!tpu.dma_semaphore, #tpu.memory_space<semaphore_mem>> -> memref<1x!tpu.dma_semaphore, #tpu.memory_space<semaphore_mem>>
    %dma_wait3A_64 = tpu.memref_squeeze %dma_wait3A_63 : memref<1x!tpu.dma_semaphore, #tpu.memory_space<semaphore_mem>> -> memref<!tpu.dma_semaphore, #tpu.memory_space<semaphore_mem>>
    tpu.wait_indirect_dma semaphore(%dma_wait3A_64 : memref<!tpu.dma_semaphore, #tpu.memory_space<semaphore_mem>>) src(%dma_wait3A_62 : memref<10008x128xf32, #tpu.memory_space<hbm>>) dst(%dma_wait3A_56 : memref<64x128xf32, #tpu.memory_space<vmem>>)
    %run_scoped3A = arith.constant 0 : i32
    "tpu.region"() ({
      %run_scoped3A_91 = tpu.sem_alloc : memref<!tpu.dma_semaphore, #tpu.memory_space<semaphore_mem>>
      %dma_start3A_92 = arith.constant 0 : i32
      %dma_start3A_93 = arith.constant 0 : i32
      %dma_start3A_94 = tpu.memref_slice %arg9[%run_scoped3A, %dma_start3A_92, %dma_start3A_93] : memref<2x64x128xf32, #tpu.memory_space<vmem>> -> memref<1x64x128xf32, #tpu.memory_space<vmem>>
      %dma_start3A_95 = tpu.memref_squeeze %dma_start3A_94 : memref<1x64x128xf32, #tpu.memory_space<vmem>> -> memref<64x128xf32, #tpu.memory_space<vmem>>
      %dma_start3A_96 = arith.constant 0 : i32
      %dma_start3A_97 = tpu.memref_slice %arg8[%add3A_51, %dma_start3A_96] : memref<224x64xi32, #tpu.memory_space<vmem>> -> memref<1x64xi32, #tpu.memory_space<vmem>>
      %dma_start3A_98 = tpu.memref_squeeze %dma_start3A_97 : memref<1x64xi32, #tpu.memory_space<vmem>> -> memref<64xi32, #tpu.memory_space<vmem>>
      %dma_start3A_99 = arith.constant 0 : i32
      %dma_start3A_100 = arith.constant 0 : i32
      %dma_start3A_101 = tpu.memref_slice %arg10[%dma_start3A_99, %dma_start3A_100] : memref<10112x128xf32, #tpu.memory_space<vmem_shared>> -> memref<10112x128xf32, #tpu.memory_space<vmem_shared>>
      tpu.enqueue_indirect_dma source(%dma_start3A_95 : memref<64x128xf32, #tpu.memory_space<vmem>>) target(%dma_start3A_101 : memref<10112x128xf32, #tpu.memory_space<vmem_shared>>) offsets(%dma_start3A_98 : memref<64xi32, #tpu.memory_space<vmem>>) semaphore(%run_scoped3A_91 : memref<!tpu.dma_semaphore, #tpu.memory_space<semaphore_mem>>) {add = true}
      %dma_wait3A_102 = arith.constant 0 : i32
      %dma_wait3A_103 = arith.constant 0 : i32
      %dma_wait3A_104 = tpu.memref_slice %arg9[%run_scoped3A, %dma_wait3A_102, %dma_wait3A_103] : memref<2x64x128xf32, #tpu.memory_space<vmem>> -> memref<1x64x128xf32, #tpu.memory_space<vmem>>
      %dma_wait3A_105 = tpu.memref_squeeze %dma_wait3A_104 : memref<1x64x128xf32, #tpu.memory_space<vmem>> -> memref<64x128xf32, #tpu.memory_space<vmem>>
      %dma_wait3A_106 = arith.constant 0 : i32
      %dma_wait3A_107 = tpu.memref_slice %arg8[%add3A_51, %dma_wait3A_106] : memref<224x64xi32, #tpu.memory_space<vmem>> -> memref<1x64xi32, #tpu.memory_space<vmem>>
      %dma_wait3A_108 = tpu.memref_squeeze %dma_wait3A_107 : memref<1x64xi32, #tpu.memory_space<vmem>> -> memref<64xi32, #tpu.memory_space<vmem>>
      %dma_wait3A_109 = arith.constant 0 : i32
      %dma_wait3A_110 = arith.constant 0 : i32
      %dma_wait3A_111 = tpu.memref_slice %arg10[%dma_wait3A_109, %dma_wait3A_110] : memref<10112x128xf32, #tpu.memory_space<vmem_shared>> -> memref<10112x128xf32, #tpu.memory_space<vmem_shared>>
      tpu.wait_indirect_dma semaphore(%run_scoped3A_91 : memref<!tpu.dma_semaphore, #tpu.memory_space<semaphore_mem>>) src(%dma_wait3A_105 : memref<64x128xf32, #tpu.memory_space<vmem>>) dst(%dma_wait3A_111 : memref<10112x128xf32, #tpu.memory_space<vmem_shared>>)
      tpu.yield
    }) : () -> ()
    %sub3A_65 = arith.constant 1 : i32
    %sub3A_66 = arith.subi %select_n3A, %sub3A_65 : i32
    %mul3A_67 = arith.constant 2 : i32
    %mul3A_68 = arith.muli %sub3A_66, %mul3A_67 : i32
    %add3A_69 = arith.constant 1 : i32
    %add3A_70 = arith.addi %mul3A_68, %add3A_69 : i32
    %dma_wait3A_71 = arith.constant 1 : i32
    %dma_wait3A_72 = arith.constant 1 : i32
    %dma_wait3A_73 = arith.constant 0 : i32
    %dma_wait3A_74 = arith.constant 0 : i32
    %dma_wait3A_75 = tpu.memref_slice %arg9[%dma_wait3A_71, %dma_wait3A_73, %dma_wait3A_74] : memref<2x64x128xf32, #tpu.memory_space<vmem>> -> memref<1x64x128xf32, #tpu.memory_space<vmem>>
    %dma_wait3A_76 = tpu.memref_squeeze %dma_wait3A_75 : memref<1x64x128xf32, #tpu.memory_space<vmem>> -> memref<64x128xf32, #tpu.memory_space<vmem>>
    %dma_wait3A_77 = arith.constant 0 : i32
    %dma_wait3A_78 = tpu.memref_slice %arg7[%add3A_70, %dma_wait3A_77] : memref<224x64xi32, #tpu.memory_space<vmem>> -> memref<1x64xi32, #tpu.memory_space<vmem>>
    %dma_wait3A_79 = tpu.memref_squeeze %dma_wait3A_78 : memref<1x64xi32, #tpu.memory_space<vmem>> -> memref<64xi32, #tpu.memory_space<vmem>>
    %dma_wait3A_80 = arith.constant 0 : i32
    %dma_wait3A_81 = arith.constant 0 : i32
    %dma_wait3A_82 = tpu.memref_slice %arg2[%dma_wait3A_80, %dma_wait3A_81] : memref<10008x128xf32, #tpu.memory_space<hbm>> -> memref<10008x128xf32, #tpu.memory_space<hbm>>
    %dma_wait3A_83 = tpu.memref_slice %arg11[%dma_wait3A_72] : memref<2x!tpu.dma_semaphore, #tpu.memory_space<semaphore_mem>> -> memref<1x!tpu.dma_semaphore, #tpu.memory_space<semaphore_mem>>
    %dma_wait3A_84 = tpu.memref_squeeze %dma_wait3A_83 : memref<1x!tpu.dma_semaphore, #tpu.memory_space<semaphore_mem>> -> memref<!tpu.dma_semaphore, #tpu.memory_space<semaphore_mem>>
    tpu.wait_indirect_dma semaphore(%dma_wait3A_84 : memref<!tpu.dma_semaphore, #tpu.memory_space<semaphore_mem>>) src(%dma_wait3A_82 : memref<10008x128xf32, #tpu.memory_space<hbm>>) dst(%dma_wait3A_76 : memref<64x128xf32, #tpu.memory_space<vmem>>)
    %run_scoped3A_85 = arith.constant 1 : i32
    "tpu.region"() ({
      %run_scoped3A_91 = tpu.sem_alloc : memref<!tpu.dma_semaphore, #tpu.memory_space<semaphore_mem>>
      %dma_start3A_92 = arith.constant 0 : i32
      %dma_start3A_93 = arith.constant 0 : i32
      %dma_start3A_94 = tpu.memref_slice %arg9[%run_scoped3A_85, %dma_start3A_92, %dma_start3A_93] : memref<2x64x128xf32, #tpu.memory_space<vmem>> -> memref<1x64x128xf32, #tpu.memory_space<vmem>>
      %dma_start3A_95 = tpu.memref_squeeze %dma_start3A_94 : memref<1x64x128xf32, #tpu.memory_space<vmem>> -> memref<64x128xf32, #tpu.memory_space<vmem>>
      %dma_start3A_96 = arith.constant 0 : i32
      %dma_start3A_97 = tpu.memref_slice %arg8[%add3A_70, %dma_start3A_96] : memref<224x64xi32, #tpu.memory_space<vmem>> -> memref<1x64xi32, #tpu.memory_space<vmem>>
      %dma_start3A_98 = tpu.memref_squeeze %dma_start3A_97 : memref<1x64xi32, #tpu.memory_space<vmem>> -> memref<64xi32, #tpu.memory_space<vmem>>
      %dma_start3A_99 = arith.constant 0 : i32
      %dma_start3A_100 = arith.constant 0 : i32
      %dma_start3A_101 = tpu.memref_slice %arg10[%dma_start3A_99, %dma_start3A_100] : memref<10112x128xf32, #tpu.memory_space<vmem_shared>> -> memref<10112x128xf32, #tpu.memory_space<vmem_shared>>
      tpu.enqueue_indirect_dma source(%dma_start3A_95 : memref<64x128xf32, #tpu.memory_space<vmem>>) target(%dma_start3A_101 : memref<10112x128xf32, #tpu.memory_space<vmem_shared>>) offsets(%dma_start3A_98 : memref<64xi32, #tpu.memory_space<vmem>>) semaphore(%run_scoped3A_91 : memref<!tpu.dma_semaphore, #tpu.memory_space<semaphore_mem>>) {add = true}
      %dma_wait3A_102 = arith.constant 0 : i32
      %dma_wait3A_103 = arith.constant 0 : i32
      %dma_wait3A_104 = tpu.memref_slice %arg9[%run_scoped3A_85, %dma_wait3A_102, %dma_wait3A_103] : memref<2x64x128xf32, #tpu.memory_space<vmem>> -> memref<1x64x128xf32, #tpu.memory_space<vmem>>
      %dma_wait3A_105 = tpu.memref_squeeze %dma_wait3A_104 : memref<1x64x128xf32, #tpu.memory_space<vmem>> -> memref<64x128xf32, #tpu.memory_space<vmem>>
      %dma_wait3A_106 = arith.constant 0 : i32
      %dma_wait3A_107 = tpu.memref_slice %arg8[%add3A_70, %dma_wait3A_106] : memref<224x64xi32, #tpu.memory_space<vmem>> -> memref<1x64xi32, #tpu.memory_space<vmem>>
      %dma_wait3A_108 = tpu.memref_squeeze %dma_wait3A_107 : memref<1x64xi32, #tpu.memory_space<vmem>> -> memref<64xi32, #tpu.memory_space<vmem>>
      %dma_wait3A_109 = arith.constant 0 : i32
      %dma_wait3A_110 = arith.constant 0 : i32
      %dma_wait3A_111 = tpu.memref_slice %arg10[%dma_wait3A_109, %dma_wait3A_110] : memref<10112x128xf32, #tpu.memory_space<vmem_shared>> -> memref<10112x128xf32, #tpu.memory_space<vmem_shared>>
      tpu.wait_indirect_dma semaphore(%run_scoped3A_91 : memref<!tpu.dma_semaphore, #tpu.memory_space<semaphore_mem>>) src(%dma_wait3A_105 : memref<64x128xf32, #tpu.memory_space<vmem>>) dst(%dma_wait3A_111 : memref<10112x128xf32, #tpu.memory_space<vmem_shared>>)
      tpu.yield
    }) : () -> ()
    %barrier3A_86 = arith.constant 0 : index
    tpu.barrier barrier_id(%barrier3A_86)
    %mul3A_87 = arith.constant 632 : i32
    %mul3A_88 = arith.muli %arg1, %mul3A_87 : i32
    %mul3A_89 = arith.constant 632 : i32
    %mul3A_90 = arith.muli %arg1, %mul3A_89 : i32
    "tpu.region"() ({
      %run_scoped3A_91 = tpu.sem_alloc : memref<!tpu.dma_semaphore, #tpu.memory_space<semaphore_mem>>
      %dma_start3A_92 = arith.constant 0 : i32
      %dma_start3A_93 = tpu.memref_slice %arg6[%arg0, %mul3A_90, %dma_start3A_92] : memref<2x10112x128xf32, #tpu.memory_space<hbm>> -> memref<1x632x128xf32, #tpu.memory_space<hbm>>
      %dma_start3A_94 = tpu.memref_squeeze %dma_start3A_93 : memref<1x632x128xf32, #tpu.memory_space<hbm>> -> memref<632x128xf32, #tpu.memory_space<hbm>>
      %dma_start3A_95 = arith.constant 0 : i32
      %dma_start3A_96 = tpu.memref_slice %arg10[%mul3A_88, %dma_start3A_95] : memref<10112x128xf32, #tpu.memory_space<vmem_shared>> -> memref<632x128xf32, #tpu.memory_space<vmem_shared>>
      tpu.enqueue_dma source(%dma_start3A_96 : memref<632x128xf32, #tpu.memory_space<vmem_shared>>) target(%dma_start3A_94 : memref<632x128xf32, #tpu.memory_space<hbm>>) target_semaphore(%run_scoped3A_91 : memref<!tpu.dma_semaphore, #tpu.memory_space<semaphore_mem>>)
      %dma_wait3A_97 = arith.constant 0 : i32
      %dma_wait3A_98 = tpu.memref_slice %arg6[%arg0, %mul3A_90, %dma_wait3A_97] : memref<2x10112x128xf32, #tpu.memory_space<hbm>> -> memref<1x632x128xf32, #tpu.memory_space<hbm>>
      %dma_wait3A_99 = tpu.memref_squeeze %dma_wait3A_98 : memref<1x632x128xf32, #tpu.memory_space<hbm>> -> memref<632x128xf32, #tpu.memory_space<hbm>>
      %dma_wait3A_100 = arith.constant 0 : i32
      %dma_wait3A_101 = tpu.memref_slice %arg10[%mul3A_88, %dma_wait3A_100] : memref<10112x128xf32, #tpu.memory_space<vmem_shared>> -> memref<632x128xf32, #tpu.memory_space<vmem_shared>>
      tpu.wait_dma2 semaphore(%run_scoped3A_91 : memref<!tpu.dma_semaphore, #tpu.memory_space<semaphore_mem>>) src(%dma_wait3A_101 : memref<632x128xf32, #tpu.memory_space<vmem_shared>>) dst(%dma_wait3A_99 : memref<632x128xf32, #tpu.memory_space<hbm>>)
      tpu.yield
    }) : () -> ()
    return
  }
}

#map = affine_map<(d0, d1) -> (0, 0)>
#map1 = affine_map<(d0, d1) -> (0, 0, 0)>
module attributes {stable_mosaic.version = 14 : i64} {
  func.func @k(%arg0: i32, %arg1: i32, %arg2: memref<10112x64xf32, #tpu.memory_space<hbm>>, %arg3: memref<32x108x128xi32, #tpu.memory_space<hbm>>, %arg4: memref<32x108x128xi32, #tpu.memory_space<hbm>>, %arg5: memref<10112x64xf32, #tpu.memory_space<hbm>>, %arg6: memref<2x10112x64xf32, #tpu.memory_space<hbm>>, %arg7: memref<108x128xi32, #tpu.memory_space<vmem>>, %arg8: memref<108x128xi32, #tpu.memory_space<vmem>>, %arg9: memref<4x128x64xf32, #tpu.memory_space<vmem>>, %arg10: memref<10112x64xf32, #tpu.memory_space<vmem_shared>>, %arg11: memref<4x!tpu.dma_semaphore, #tpu.memory_space<semaphore_mem>>) attributes {dimension_semantics = [#tpu.dimension_semantics<core_parallel>, #tpu.dimension_semantics<subcore_parallel>], iteration_bounds = array<i64: 2, 16>, scalar_prefetch = 0 : i64, scratch_operands = 5 : i64, tpu.core_type = #tpu.core_type<sc_vector_subcore>, window_params = [{transform_indices = #map}, {transform_indices = #map1}, {transform_indices = #map1}, {transform_indices = #map}, {transform_indices = #map1}]} {
    %mul3A = arith.constant 16 : i32
    %mul3A_0 = arith.muli %arg0, %mul3A : i32
    %add3A = arith.addi %mul3A_0, %arg1 : i32
    %mul3A_1 = arith.constant 632 : i32
    %mul3A_2 = arith.muli %arg1, %mul3A_1 : i32
    %mul3A_3 = arith.constant 632 : i32
    %mul3A_4 = arith.muli %arg1, %mul3A_3 : i32
    "tpu.region"() ({
      %run_scoped3A_163 = tpu.sem_alloc : memref<!tpu.dma_semaphore, #tpu.memory_space<semaphore_mem>>
      %dma_start3A_164 = arith.constant 0 : i32
      %dma_start3A_165 = tpu.memref_slice %arg10[%mul3A_4, %dma_start3A_164] : memref<10112x64xf32, #tpu.memory_space<vmem_shared>> -> memref<632x64xf32, #tpu.memory_space<vmem_shared>>
      %dma_start3A_166 = arith.constant 0 : i32
      %dma_start3A_167 = tpu.memref_slice %arg5[%mul3A_2, %dma_start3A_166] : memref<10112x64xf32, #tpu.memory_space<hbm>> -> memref<632x64xf32, #tpu.memory_space<hbm>>
      tpu.enqueue_dma source(%dma_start3A_167 : memref<632x64xf32, #tpu.memory_space<hbm>>) target(%dma_start3A_165 : memref<632x64xf32, #tpu.memory_space<vmem_shared>>) target_semaphore(%run_scoped3A_163 : memref<!tpu.dma_semaphore, #tpu.memory_space<semaphore_mem>>)
      %dma_wait3A_168 = arith.constant 0 : i32
      %dma_wait3A_169 = tpu.memref_slice %arg10[%mul3A_4, %dma_wait3A_168] : memref<10112x64xf32, #tpu.memory_space<vmem_shared>> -> memref<632x64xf32, #tpu.memory_space<vmem_shared>>
      %dma_wait3A_170 = arith.constant 0 : i32
      %dma_wait3A_171 = tpu.memref_slice %arg5[%mul3A_2, %dma_wait3A_170] : memref<10112x64xf32, #tpu.memory_space<hbm>> -> memref<632x64xf32, #tpu.memory_space<hbm>>
      tpu.wait_dma2 semaphore(%run_scoped3A_163 : memref<!tpu.dma_semaphore, #tpu.memory_space<semaphore_mem>>) src(%dma_wait3A_171 : memref<632x64xf32, #tpu.memory_space<hbm>>) dst(%dma_wait3A_169 : memref<632x64xf32, #tpu.memory_space<vmem_shared>>)
      tpu.yield
    }) : () -> ()
    "tpu.region"() ({
      %run_scoped3A_163 = tpu.sem_alloc : memref<!tpu.dma_semaphore, #tpu.memory_space<semaphore_mem>>
      %dma_start3A_164 = arith.constant 0 : i32
      %dma_start3A_165 = arith.constant 0 : i32
      %dma_start3A_166 = tpu.memref_slice %arg3[%add3A, %dma_start3A_164, %dma_start3A_165] : memref<32x108x128xi32, #tpu.memory_space<hbm>> -> memref<1x108x128xi32, #tpu.memory_space<hbm>>
      %dma_start3A_167 = tpu.memref_squeeze %dma_start3A_166 : memref<1x108x128xi32, #tpu.memory_space<hbm>> -> memref<108x128xi32, #tpu.memory_space<hbm>>
      %dma_start3A_168 = arith.constant 0 : i32
      %dma_start3A_169 = arith.constant 0 : i32
      %dma_start3A_170 = tpu.memref_slice %arg3[%add3A, %dma_start3A_168, %dma_start3A_169] : memref<32x108x128xi32, #tpu.memory_space<hbm>> -> memref<1x108x128xi32, #tpu.memory_space<hbm>>
      %dma_start3A_171 = tpu.memref_squeeze %dma_start3A_170 : memref<1x108x128xi32, #tpu.memory_space<hbm>> -> memref<108x128xi32, #tpu.memory_space<hbm>>
      tpu.enqueue_dma source(%dma_start3A_171 : memref<108x128xi32, #tpu.memory_space<hbm>>) target(%arg7 : memref<108x128xi32, #tpu.memory_space<vmem>>) target_semaphore(%run_scoped3A_163 : memref<!tpu.dma_semaphore, #tpu.memory_space<semaphore_mem>>)
      %dma_wait3A_172 = arith.constant 0 : i32
      %dma_wait3A_173 = arith.constant 0 : i32
      %dma_wait3A_174 = tpu.memref_slice %arg3[%add3A, %dma_wait3A_172, %dma_wait3A_173] : memref<32x108x128xi32, #tpu.memory_space<hbm>> -> memref<1x108x128xi32, #tpu.memory_space<hbm>>
      %dma_wait3A_175 = tpu.memref_squeeze %dma_wait3A_174 : memref<1x108x128xi32, #tpu.memory_space<hbm>> -> memref<108x128xi32, #tpu.memory_space<hbm>>
      %dma_wait3A_176 = arith.constant 0 : i32
      %dma_wait3A_177 = arith.constant 0 : i32
      %dma_wait3A_178 = tpu.memref_slice %arg3[%add3A, %dma_wait3A_176, %dma_wait3A_177] : memref<32x108x128xi32, #tpu.memory_space<hbm>> -> memref<1x108x128xi32, #tpu.memory_space<hbm>>
      %dma_wait3A_179 = tpu.memref_squeeze %dma_wait3A_178 : memref<1x108x128xi32, #tpu.memory_space<hbm>> -> memref<108x128xi32, #tpu.memory_space<hbm>>
      tpu.wait_dma2 semaphore(%run_scoped3A_163 : memref<!tpu.dma_semaphore, #tpu.memory_space<semaphore_mem>>) src(%dma_wait3A_179 : memref<108x128xi32, #tpu.memory_space<hbm>>) dst(%arg7 : memref<108x128xi32, #tpu.memory_space<vmem>>)
      tpu.yield
    }) : () -> ()
    "tpu.region"() ({
      %run_scoped3A_163 = tpu.sem_alloc : memref<!tpu.dma_semaphore, #tpu.memory_space<semaphore_mem>>
      %dma_start3A_164 = arith.constant 0 : i32
      %dma_start3A_165 = arith.constant 0 : i32
      %dma_start3A_166 = tpu.memref_slice %arg4[%add3A, %dma_start3A_164, %dma_start3A_165] : memref<32x108x128xi32, #tpu.memory_space<hbm>> -> memref<1x108x128xi32, #tpu.memory_space<hbm>>
      %dma_start3A_167 = tpu.memref_squeeze %dma_start3A_166 : memref<1x108x128xi32, #tpu.memory_space<hbm>> -> memref<108x128xi32, #tpu.memory_space<hbm>>
      %dma_start3A_168 = arith.constant 0 : i32
      %dma_start3A_169 = arith.constant 0 : i32
      %dma_start3A_170 = tpu.memref_slice %arg4[%add3A, %dma_start3A_168, %dma_start3A_169] : memref<32x108x128xi32, #tpu.memory_space<hbm>> -> memref<1x108x128xi32, #tpu.memory_space<hbm>>
      %dma_start3A_171 = tpu.memref_squeeze %dma_start3A_170 : memref<1x108x128xi32, #tpu.memory_space<hbm>> -> memref<108x128xi32, #tpu.memory_space<hbm>>
      tpu.enqueue_dma source(%dma_start3A_171 : memref<108x128xi32, #tpu.memory_space<hbm>>) target(%arg8 : memref<108x128xi32, #tpu.memory_space<vmem>>) target_semaphore(%run_scoped3A_163 : memref<!tpu.dma_semaphore, #tpu.memory_space<semaphore_mem>>)
      %dma_wait3A_172 = arith.constant 0 : i32
      %dma_wait3A_173 = arith.constant 0 : i32
      %dma_wait3A_174 = tpu.memref_slice %arg4[%add3A, %dma_wait3A_172, %dma_wait3A_173] : memref<32x108x128xi32, #tpu.memory_space<hbm>> -> memref<1x108x128xi32, #tpu.memory_space<hbm>>
      %dma_wait3A_175 = tpu.memref_squeeze %dma_wait3A_174 : memref<1x108x128xi32, #tpu.memory_space<hbm>> -> memref<108x128xi32, #tpu.memory_space<hbm>>
      %dma_wait3A_176 = arith.constant 0 : i32
      %dma_wait3A_177 = arith.constant 0 : i32
      %dma_wait3A_178 = tpu.memref_slice %arg4[%add3A, %dma_wait3A_176, %dma_wait3A_177] : memref<32x108x128xi32, #tpu.memory_space<hbm>> -> memref<1x108x128xi32, #tpu.memory_space<hbm>>
      %dma_wait3A_179 = tpu.memref_squeeze %dma_wait3A_178 : memref<1x108x128xi32, #tpu.memory_space<hbm>> -> memref<108x128xi32, #tpu.memory_space<hbm>>
      tpu.wait_dma2 semaphore(%run_scoped3A_163 : memref<!tpu.dma_semaphore, #tpu.memory_space<semaphore_mem>>) src(%dma_wait3A_179 : memref<108x128xi32, #tpu.memory_space<hbm>>) dst(%arg8 : memref<108x128xi32, #tpu.memory_space<vmem>>)
      tpu.yield
    }) : () -> ()
    %barrier3A = arith.constant 0 : index
    tpu.barrier barrier_id(%barrier3A)
    %eq3A = arith.constant 0 : i32
    %eq3A_5 = arith.cmpi eq, %arg0, %eq3A : i32
    %jit3A = arith.constant 13 : i32
    %jit3A_6 = arith.constant 27 : i32
    %select_n3A = arith.select %eq3A_5, %jit3A, %jit3A_6 : i32
    %dma_start3A = arith.constant 0 : i32
    %dma_start3A_7 = arith.constant 0 : i32
    %dma_start3A_8 = arith.constant 0 : i32
    %dma_start3A_9 = arith.constant 0 : i32
    %dma_start3A_10 = arith.constant 0 : i32
    %dma_start3A_11 = tpu.memref_slice %arg9[%dma_start3A_7, %dma_start3A_9, %dma_start3A_10] : memref<4x128x64xf32, #tpu.memory_space<vmem>> -> memref<1x128x64xf32, #tpu.memory_space<vmem>>
    %dma_start3A_12 = tpu.memref_squeeze %dma_start3A_11 : memref<1x128x64xf32, #tpu.memory_space<vmem>> -> memref<128x64xf32, #tpu.memory_space<vmem>>
    %dma_start3A_13 = arith.constant 0 : i32
    %dma_start3A_14 = tpu.memref_slice %arg7[%dma_start3A, %dma_start3A_13] : memref<108x128xi32, #tpu.memory_space<vmem>> -> memref<1x128xi32, #tpu.memory_space<vmem>>
    %dma_start3A_15 = tpu.memref_squeeze %dma_start3A_14 : memref<1x128xi32, #tpu.memory_space<vmem>> -> memref<128xi32, #tpu.memory_space<vmem>>
    %dma_start3A_16 = arith.constant 0 : i32
    %dma_start3A_17 = arith.constant 0 : i32
    %dma_start3A_18 = tpu.memref_slice %arg2[%dma_start3A_16, %dma_start3A_17] : memref<10112x64xf32, #tpu.memory_space<hbm>> -> memref<10112x64xf32, #tpu.memory_space<hbm>>
    %dma_start3A_19 = tpu.memref_slice %arg11[%dma_start3A_8] : memref<4x!tpu.dma_semaphore, #tpu.memory_space<semaphore_mem>> -> memref<1x!tpu.dma_semaphore, #tpu.memory_space<semaphore_mem>>
    %dma_start3A_20 = tpu.memref_squeeze %dma_start3A_19 : memref<1x!tpu.dma_semaphore, #tpu.memory_space<semaphore_mem>> -> memref<!tpu.dma_semaphore, #tpu.memory_space<semaphore_mem>>
    tpu.enqueue_indirect_dma source(%dma_start3A_18 : memref<10112x64xf32, #tpu.memory_space<hbm>>) target(%dma_start3A_12 : memref<128x64xf32, #tpu.memory_space<vmem>>) offsets(%dma_start3A_15 : memref<128xi32, #tpu.memory_space<vmem>>) semaphore(%dma_start3A_20 : memref<!tpu.dma_semaphore, #tpu.memory_space<semaphore_mem>>)
    %dma_start3A_21 = arith.constant 1 : i32
    %dma_start3A_22 = arith.constant 1 : i32
    %dma_start3A_23 = arith.constant 1 : i32
    %dma_start3A_24 = arith.constant 0 : i32
    %dma_start3A_25 = arith.constant 0 : i32
    %dma_start3A_26 = tpu.memref_slice %arg9[%dma_start3A_22, %dma_start3A_24, %dma_start3A_25] : memref<4x128x64xf32, #tpu.memory_space<vmem>> -> memref<1x128x64xf32, #tpu.memory_space<vmem>>
    %dma_start3A_27 = tpu.memref_squeeze %dma_start3A_26 : memref<1x128x64xf32, #tpu.memory_space<vmem>> -> memref<128x64xf32, #tpu.memory_space<vmem>>
    %dma_start3A_28 = arith.constant 0 : i32
    %dma_start3A_29 = tpu.memref_slice %arg7[%dma_start3A_21, %dma_start3A_28] : memref<108x128xi32, #tpu.memory_space<vmem>> -> memref<1x128xi32, #tpu.memory_space<vmem>>
    %dma_start3A_30 = tpu.memref_squeeze %dma_start3A_29 : memref<1x128xi32, #tpu.memory_space<vmem>> -> memref<128xi32, #tpu.memory_space<vmem>>
    %dma_start3A_31 = arith.constant 0 : i32
    %dma_start3A_32 = arith.constant 0 : i32
    %dma_start3A_33 = tpu.memref_slice %arg2[%dma_start3A_31, %dma_start3A_32] : memref<10112x64xf32, #tpu.memory_space<hbm>> -> memref<10112x64xf32, #tpu.memory_space<hbm>>
    %dma_start3A_34 = tpu.memref_slice %arg11[%dma_start3A_23] : memref<4x!tpu.dma_semaphore, #tpu.memory_space<semaphore_mem>> -> memref<1x!tpu.dma_semaphore, #tpu.memory_space<semaphore_mem>>
    %dma_start3A_35 = tpu.memref_squeeze %dma_start3A_34 : memref<1x!tpu.dma_semaphore, #tpu.memory_space<semaphore_mem>> -> memref<!tpu.dma_semaphore, #tpu.memory_space<semaphore_mem>>
    tpu.enqueue_indirect_dma source(%dma_start3A_33 : memref<10112x64xf32, #tpu.memory_space<hbm>>) target(%dma_start3A_27 : memref<128x64xf32, #tpu.memory_space<vmem>>) offsets(%dma_start3A_30 : memref<128xi32, #tpu.memory_space<vmem>>) semaphore(%dma_start3A_35 : memref<!tpu.dma_semaphore, #tpu.memory_space<semaphore_mem>>)
    %dma_start3A_36 = arith.constant 2 : i32
    %dma_start3A_37 = arith.constant 2 : i32
    %dma_start3A_38 = arith.constant 2 : i32
    %dma_start3A_39 = arith.constant 0 : i32
    %dma_start3A_40 = arith.constant 0 : i32
    %dma_start3A_41 = tpu.memref_slice %arg9[%dma_start3A_37, %dma_start3A_39, %dma_start3A_40] : memref<4x128x64xf32, #tpu.memory_space<vmem>> -> memref<1x128x64xf32, #tpu.memory_space<vmem>>
    %dma_start3A_42 = tpu.memref_squeeze %dma_start3A_41 : memref<1x128x64xf32, #tpu.memory_space<vmem>> -> memref<128x64xf32, #tpu.memory_space<vmem>>
    %dma_start3A_43 = arith.constant 0 : i32
    %dma_start3A_44 = tpu.memref_slice %arg7[%dma_start3A_36, %dma_start3A_43] : memref<108x128xi32, #tpu.memory_space<vmem>> -> memref<1x128xi32, #tpu.memory_space<vmem>>
    %dma_start3A_45 = tpu.memref_squeeze %dma_start3A_44 : memref<1x128xi32, #tpu.memory_space<vmem>> -> memref<128xi32, #tpu.memory_space<vmem>>
    %dma_start3A_46 = arith.constant 0 : i32
    %dma_start3A_47 = arith.constant 0 : i32
    %dma_start3A_48 = tpu.memref_slice %arg2[%dma_start3A_46, %dma_start3A_47] : memref<10112x64xf32, #tpu.memory_space<hbm>> -> memref<10112x64xf32, #tpu.memory_space<hbm>>
    %dma_start3A_49 = tpu.memref_slice %arg11[%dma_start3A_38] : memref<4x!tpu.dma_semaphore, #tpu.memory_space<semaphore_mem>> -> memref<1x!tpu.dma_semaphore, #tpu.memory_space<semaphore_mem>>
    %dma_start3A_50 = tpu.memref_squeeze %dma_start3A_49 : memref<1x!tpu.dma_semaphore, #tpu.memory_space<semaphore_mem>> -> memref<!tpu.dma_semaphore, #tpu.memory_space<semaphore_mem>>
    tpu.enqueue_indirect_dma source(%dma_start3A_48 : memref<10112x64xf32, #tpu.memory_space<hbm>>) target(%dma_start3A_42 : memref<128x64xf32, #tpu.memory_space<vmem>>) offsets(%dma_start3A_45 : memref<128xi32, #tpu.memory_space<vmem>>) semaphore(%dma_start3A_50 : memref<!tpu.dma_semaphore, #tpu.memory_space<semaphore_mem>>)
    %dma_start3A_51 = arith.constant 3 : i32
    %dma_start3A_52 = arith.constant 3 : i32
    %dma_start3A_53 = arith.constant 3 : i32
    %dma_start3A_54 = arith.constant 0 : i32
    %dma_start3A_55 = arith.constant 0 : i32
    %dma_start3A_56 = tpu.memref_slice %arg9[%dma_start3A_52, %dma_start3A_54, %dma_start3A_55] : memref<4x128x64xf32, #tpu.memory_space<vmem>> -> memref<1x128x64xf32, #tpu.memory_space<vmem>>
    %dma_start3A_57 = tpu.memref_squeeze %dma_start3A_56 : memref<1x128x64xf32, #tpu.memory_space<vmem>> -> memref<128x64xf32, #tpu.memory_space<vmem>>
    %dma_start3A_58 = arith.constant 0 : i32
    %dma_start3A_59 = tpu.memref_slice %arg7[%dma_start3A_51, %dma_start3A_58] : memref<108x128xi32, #tpu.memory_space<vmem>> -> memref<1x128xi32, #tpu.memory_space<vmem>>
    %dma_start3A_60 = tpu.memref_squeeze %dma_start3A_59 : memref<1x128xi32, #tpu.memory_space<vmem>> -> memref<128xi32, #tpu.memory_space<vmem>>
    %dma_start3A_61 = arith.constant 0 : i32
    %dma_start3A_62 = arith.constant 0 : i32
    %dma_start3A_63 = tpu.memref_slice %arg2[%dma_start3A_61, %dma_start3A_62] : memref<10112x64xf32, #tpu.memory_space<hbm>> -> memref<10112x64xf32, #tpu.memory_space<hbm>>
    %dma_start3A_64 = tpu.memref_slice %arg11[%dma_start3A_53] : memref<4x!tpu.dma_semaphore, #tpu.memory_space<semaphore_mem>> -> memref<1x!tpu.dma_semaphore, #tpu.memory_space<semaphore_mem>>
    %dma_start3A_65 = tpu.memref_squeeze %dma_start3A_64 : memref<1x!tpu.dma_semaphore, #tpu.memory_space<semaphore_mem>> -> memref<!tpu.dma_semaphore, #tpu.memory_space<semaphore_mem>>
    tpu.enqueue_indirect_dma source(%dma_start3A_63 : memref<10112x64xf32, #tpu.memory_space<hbm>>) target(%dma_start3A_57 : memref<128x64xf32, #tpu.memory_space<vmem>>) offsets(%dma_start3A_60 : memref<128xi32, #tpu.memory_space<vmem>>) semaphore(%dma_start3A_65 : memref<!tpu.dma_semaphore, #tpu.memory_space<semaphore_mem>>)
    %sub3A = arith.constant 1 : i32
    %sub3A_66 = arith.subi %select_n3A, %sub3A : i32
    %while3A = arith.constant 0 : i32
    %while3A_67 = arith.constant 0 : i32
    %while3A_68 = arith.subi %sub3A_66, %while3A_67 : i32
    %while3A_69 = arith.addi %while3A_67, %while3A_68 : i32
    %while3A_70 = arith.constant 1 : i32
    %while3A_71 = arith.divsi %while3A_68, %while3A_70 : i32
    %while3A_72 = arith.muli %while3A_71, %while3A_70 : i32
    %while3A_73 = arith.addi %while3A_67, %while3A_72 : i32
    %while3A_74 = arith.constant 1 : i32
    scf.for %while3A_163 = %while3A_67 to %while3A_73 step %while3A_74  : i32 {
      %mul3A_164 = arith.constant 4 : i32
      %mul3A_165 = arith.muli %while3A_163, %mul3A_164 : i32
      %add3A_166 = arith.constant 0 : i32
      %add3A_167 = arith.addi %mul3A_165, %add3A_166 : i32
      %dma_wait3A_168 = arith.constant 0 : i32
      %dma_wait3A_169 = arith.constant 0 : i32
      %dma_wait3A_170 = arith.constant 0 : i32
      %dma_wait3A_171 = arith.constant 0 : i32
      %dma_wait3A_172 = tpu.memref_slice %arg9[%dma_wait3A_168, %dma_wait3A_170, %dma_wait3A_171] : memref<4x128x64xf32, #tpu.memory_space<vmem>> -> memref<1x128x64xf32, #tpu.memory_space<vmem>>
      %dma_wait3A_173 = tpu.memref_squeeze %dma_wait3A_172 : memref<1x128x64xf32, #tpu.memory_space<vmem>> -> memref<128x64xf32, #tpu.memory_space<vmem>>
      %dma_wait3A_174 = arith.constant 0 : i32
      %dma_wait3A_175 = tpu.memref_slice %arg7[%add3A_167, %dma_wait3A_174] : memref<108x128xi32, #tpu.memory_space<vmem>> -> memref<1x128xi32, #tpu.memory_space<vmem>>
      %dma_wait3A_176 = tpu.memref_squeeze %dma_wait3A_175 : memref<1x128xi32, #tpu.memory_space<vmem>> -> memref<128xi32, #tpu.memory_space<vmem>>
      %dma_wait3A_177 = arith.constant 0 : i32
      %dma_wait3A_178 = arith.constant 0 : i32
      %dma_wait3A_179 = tpu.memref_slice %arg2[%dma_wait3A_177, %dma_wait3A_178] : memref<10112x64xf32, #tpu.memory_space<hbm>> -> memref<10112x64xf32, #tpu.memory_space<hbm>>
      %dma_wait3A_180 = tpu.memref_slice %arg11[%dma_wait3A_169] : memref<4x!tpu.dma_semaphore, #tpu.memory_space<semaphore_mem>> -> memref<1x!tpu.dma_semaphore, #tpu.memory_space<semaphore_mem>>
      %dma_wait3A_181 = tpu.memref_squeeze %dma_wait3A_180 : memref<1x!tpu.dma_semaphore, #tpu.memory_space<semaphore_mem>> -> memref<!tpu.dma_semaphore, #tpu.memory_space<semaphore_mem>>
      tpu.wait_indirect_dma semaphore(%dma_wait3A_181 : memref<!tpu.dma_semaphore, #tpu.memory_space<semaphore_mem>>) src(%dma_wait3A_179 : memref<10112x64xf32, #tpu.memory_space<hbm>>) dst(%dma_wait3A_173 : memref<128x64xf32, #tpu.memory_space<vmem>>)
      %run_scoped3A_182 = arith.constant 0 : i32
      "tpu.region"() ({
        %run_scoped3A_304 = tpu.sem_alloc : memref<!tpu.dma_semaphore, #tpu.memory_space<semaphore_mem>>
        %dma_start3A_305 = arith.constant 0 : i32
        %dma_start3A_306 = arith.constant 0 : i32
        %dma_start3A_307 = tpu.memref_slice %arg9[%run_scoped3A_182, %dma_start3A_305, %dma_start3A_306] : memref<4x128x64xf32, #tpu.memory_space<vmem>> -> memref<1x128x64xf32, #tpu.memory_space<vmem>>
        %dma_start3A_308 = tpu.memref_squeeze %dma_start3A_307 : memref<1x128x64xf32, #tpu.memory_space<vmem>> -> memref<128x64xf32, #tpu.memory_space<vmem>>
        %dma_start3A_309 = arith.constant 0 : i32
        %dma_start3A_310 = tpu.memref_slice %arg8[%add3A_167, %dma_start3A_309] : memref<108x128xi32, #tpu.memory_space<vmem>> -> memref<1x128xi32, #tpu.memory_space<vmem>>
        %dma_start3A_311 = tpu.memref_squeeze %dma_start3A_310 : memref<1x128xi32, #tpu.memory_space<vmem>> -> memref<128xi32, #tpu.memory_space<vmem>>
        %dma_start3A_312 = arith.constant 0 : i32
        %dma_start3A_313 = arith.constant 0 : i32
        %dma_start3A_314 = tpu.memref_slice %arg10[%dma_start3A_312, %dma_start3A_313] : memref<10112x64xf32, #tpu.memory_space<vmem_shared>> -> memref<10112x64xf32, #tpu.memory_space<vmem_shared>>
        tpu.enqueue_indirect_dma source(%dma_start3A_308 : memref<128x64xf32, #tpu.memory_space<vmem>>) target(%dma_start3A_314 : memref<10112x64xf32, #tpu.memory_space<vmem_shared>>) offsets(%dma_start3A_311 : memref<128xi32, #tpu.memory_space<vmem>>) semaphore(%run_scoped3A_304 : memref<!tpu.dma_semaphore, #tpu.memory_space<semaphore_mem>>) {add = true}
        %dma_wait3A_315 = arith.constant 0 : i32
        %dma_wait3A_316 = arith.constant 0 : i32
        %dma_wait3A_317 = tpu.memref_slice %arg9[%run_scoped3A_182, %dma_wait3A_315, %dma_wait3A_316] : memref<4x128x64xf32, #tpu.memory_space<vmem>> -> memref<1x128x64xf32, #tpu.memory_space<vmem>>
        %dma_wait3A_318 = tpu.memref_squeeze %dma_wait3A_317 : memref<1x128x64xf32, #tpu.memory_space<vmem>> -> memref<128x64xf32, #tpu.memory_space<vmem>>
        %dma_wait3A_319 = arith.constant 0 : i32
        %dma_wait3A_320 = tpu.memref_slice %arg8[%add3A_167, %dma_wait3A_319] : memref<108x128xi32, #tpu.memory_space<vmem>> -> memref<1x128xi32, #tpu.memory_space<vmem>>
        %dma_wait3A_321 = tpu.memref_squeeze %dma_wait3A_320 : memref<1x128xi32, #tpu.memory_space<vmem>> -> memref<128xi32, #tpu.memory_space<vmem>>
        %dma_wait3A_322 = arith.constant 0 : i32
        %dma_wait3A_323 = arith.constant 0 : i32
        %dma_wait3A_324 = tpu.memref_slice %arg10[%dma_wait3A_322, %dma_wait3A_323] : memref<10112x64xf32, #tpu.memory_space<vmem_shared>> -> memref<10112x64xf32, #tpu.memory_space<vmem_shared>>
        tpu.wait_indirect_dma semaphore(%run_scoped3A_304 : memref<!tpu.dma_semaphore, #tpu.memory_space<semaphore_mem>>) src(%dma_wait3A_318 : memref<128x64xf32, #tpu.memory_space<vmem>>) dst(%dma_wait3A_324 : memref<10112x64xf32, #tpu.memory_space<vmem_shared>>)
        tpu.yield
      }) : () -> ()
      %add3A_183 = arith.constant 4 : i32
      %add3A_184 = arith.addi %add3A_167, %add3A_183 : i32
      %dma_start3A_185 = arith.constant 0 : i32
      %dma_start3A_186 = arith.constant 0 : i32
      %dma_start3A_187 = arith.constant 0 : i32
      %dma_start3A_188 = arith.constant 0 : i32
      %dma_start3A_189 = tpu.memref_slice %arg9[%dma_start3A_185, %dma_start3A_187, %dma_start3A_188] : memref<4x128x64xf32, #tpu.memory_space<vmem>> -> memref<1x128x64xf32, #tpu.memory_space<vmem>>
      %dma_start3A_190 = tpu.memref_squeeze %dma_start3A_189 : memref<1x128x64xf32, #tpu.memory_space<vmem>> -> memref<128x64xf32, #tpu.memory_space<vmem>>
      %dma_start3A_191 = arith.constant 0 : i32
      %dma_start3A_192 = tpu.memref_slice %arg7[%add3A_184, %dma_start3A_191] : memref<108x128xi32, #tpu.memory_space<vmem>> -> memref<1x128xi32, #tpu.memory_space<vmem>>
      %dma_start3A_193 = tpu.memref_squeeze %dma_start3A_192 : memref<1x128xi32, #tpu.memory_space<vmem>> -> memref<128xi32, #tpu.memory_space<vmem>>
      %dma_start3A_194 = arith.constant 0 : i32
      %dma_start3A_195 = arith.constant 0 : i32
      %dma_start3A_196 = tpu.memref_slice %arg2[%dma_start3A_194, %dma_start3A_195] : memref<10112x64xf32, #tpu.memory_space<hbm>> -> memref<10112x64xf32, #tpu.memory_space<hbm>>
      %dma_start3A_197 = tpu.memref_slice %arg11[%dma_start3A_186] : memref<4x!tpu.dma_semaphore, #tpu.memory_space<semaphore_mem>> -> memref<1x!tpu.dma_semaphore, #tpu.memory_space<semaphore_mem>>
      %dma_start3A_198 = tpu.memref_squeeze %dma_start3A_197 : memref<1x!tpu.dma_semaphore, #tpu.memory_space<semaphore_mem>> -> memref<!tpu.dma_semaphore, #tpu.memory_space<semaphore_mem>>
      tpu.enqueue_indirect_dma source(%dma_start3A_196 : memref<10112x64xf32, #tpu.memory_space<hbm>>) target(%dma_start3A_190 : memref<128x64xf32, #tpu.memory_space<vmem>>) offsets(%dma_start3A_193 : memref<128xi32, #tpu.memory_space<vmem>>) semaphore(%dma_start3A_198 : memref<!tpu.dma_semaphore, #tpu.memory_space<semaphore_mem>>)
      %mul3A_199 = arith.constant 4 : i32
      %mul3A_200 = arith.muli %while3A_163, %mul3A_199 : i32
      %add3A_201 = arith.constant 1 : i32
      %add3A_202 = arith.addi %mul3A_200, %add3A_201 : i32
      %dma_wait3A_203 = arith.constant 1 : i32
      %dma_wait3A_204 = arith.constant 1 : i32
      %dma_wait3A_205 = arith.constant 0 : i32
      %dma_wait3A_206 = arith.constant 0 : i32
      %dma_wait3A_207 = tpu.memref_slice %arg9[%dma_wait3A_203, %dma_wait3A_205, %dma_wait3A_206] : memref<4x128x64xf32, #tpu.memory_space<vmem>> -> memref<1x128x64xf32, #tpu.memory_space<vmem>>
      %dma_wait3A_208 = tpu.memref_squeeze %dma_wait3A_207 : memref<1x128x64xf32, #tpu.memory_space<vmem>> -> memref<128x64xf32, #tpu.memory_space<vmem>>
      %dma_wait3A_209 = arith.constant 0 : i32
      %dma_wait3A_210 = tpu.memref_slice %arg7[%add3A_202, %dma_wait3A_209] : memref<108x128xi32, #tpu.memory_space<vmem>> -> memref<1x128xi32, #tpu.memory_space<vmem>>
      %dma_wait3A_211 = tpu.memref_squeeze %dma_wait3A_210 : memref<1x128xi32, #tpu.memory_space<vmem>> -> memref<128xi32, #tpu.memory_space<vmem>>
      %dma_wait3A_212 = arith.constant 0 : i32
      %dma_wait3A_213 = arith.constant 0 : i32
      %dma_wait3A_214 = tpu.memref_slice %arg2[%dma_wait3A_212, %dma_wait3A_213] : memref<10112x64xf32, #tpu.memory_space<hbm>> -> memref<10112x64xf32, #tpu.memory_space<hbm>>
      %dma_wait3A_215 = tpu.memref_slice %arg11[%dma_wait3A_204] : memref<4x!tpu.dma_semaphore, #tpu.memory_space<semaphore_mem>> -> memref<1x!tpu.dma_semaphore, #tpu.memory_space<semaphore_mem>>
      %dma_wait3A_216 = tpu.memref_squeeze %dma_wait3A_215 : memref<1x!tpu.dma_semaphore, #tpu.memory_space<semaphore_mem>> -> memref<!tpu.dma_semaphore, #tpu.memory_space<semaphore_mem>>
      tpu.wait_indirect_dma semaphore(%dma_wait3A_216 : memref<!tpu.dma_semaphore, #tpu.memory_space<semaphore_mem>>) src(%dma_wait3A_214 : memref<10112x64xf32, #tpu.memory_space<hbm>>) dst(%dma_wait3A_208 : memref<128x64xf32, #tpu.memory_space<vmem>>)
      %run_scoped3A_217 = arith.constant 1 : i32
      "tpu.region"() ({
        %run_scoped3A_304 = tpu.sem_alloc : memref<!tpu.dma_semaphore, #tpu.memory_space<semaphore_mem>>
        %dma_start3A_305 = arith.constant 0 : i32
        %dma_start3A_306 = arith.constant 0 : i32
        %dma_start3A_307 = tpu.memref_slice %arg9[%run_scoped3A_217, %dma_start3A_305, %dma_start3A_306] : memref<4x128x64xf32, #tpu.memory_space<vmem>> -> memref<1x128x64xf32, #tpu.memory_space<vmem>>
        %dma_start3A_308 = tpu.memref_squeeze %dma_start3A_307 : memref<1x128x64xf32, #tpu.memory_space<vmem>> -> memref<128x64xf32, #tpu.memory_space<vmem>>
        %dma_start3A_309 = arith.constant 0 : i32
        %dma_start3A_310 = tpu.memref_slice %arg8[%add3A_202, %dma_start3A_309] : memref<108x128xi32, #tpu.memory_space<vmem>> -> memref<1x128xi32, #tpu.memory_space<vmem>>
        %dma_start3A_311 = tpu.memref_squeeze %dma_start3A_310 : memref<1x128xi32, #tpu.memory_space<vmem>> -> memref<128xi32, #tpu.memory_space<vmem>>
        %dma_start3A_312 = arith.constant 0 : i32
        %dma_start3A_313 = arith.constant 0 : i32
        %dma_start3A_314 = tpu.memref_slice %arg10[%dma_start3A_312, %dma_start3A_313] : memref<10112x64xf32, #tpu.memory_space<vmem_shared>> -> memref<10112x64xf32, #tpu.memory_space<vmem_shared>>
        tpu.enqueue_indirect_dma source(%dma_start3A_308 : memref<128x64xf32, #tpu.memory_space<vmem>>) target(%dma_start3A_314 : memref<10112x64xf32, #tpu.memory_space<vmem_shared>>) offsets(%dma_start3A_311 : memref<128xi32, #tpu.memory_space<vmem>>) semaphore(%run_scoped3A_304 : memref<!tpu.dma_semaphore, #tpu.memory_space<semaphore_mem>>) {add = true}
        %dma_wait3A_315 = arith.constant 0 : i32
        %dma_wait3A_316 = arith.constant 0 : i32
        %dma_wait3A_317 = tpu.memref_slice %arg9[%run_scoped3A_217, %dma_wait3A_315, %dma_wait3A_316] : memref<4x128x64xf32, #tpu.memory_space<vmem>> -> memref<1x128x64xf32, #tpu.memory_space<vmem>>
        %dma_wait3A_318 = tpu.memref_squeeze %dma_wait3A_317 : memref<1x128x64xf32, #tpu.memory_space<vmem>> -> memref<128x64xf32, #tpu.memory_space<vmem>>
        %dma_wait3A_319 = arith.constant 0 : i32
        %dma_wait3A_320 = tpu.memref_slice %arg8[%add3A_202, %dma_wait3A_319] : memref<108x128xi32, #tpu.memory_space<vmem>> -> memref<1x128xi32, #tpu.memory_space<vmem>>
        %dma_wait3A_321 = tpu.memref_squeeze %dma_wait3A_320 : memref<1x128xi32, #tpu.memory_space<vmem>> -> memref<128xi32, #tpu.memory_space<vmem>>
        %dma_wait3A_322 = arith.constant 0 : i32
        %dma_wait3A_323 = arith.constant 0 : i32
        %dma_wait3A_324 = tpu.memref_slice %arg10[%dma_wait3A_322, %dma_wait3A_323] : memref<10112x64xf32, #tpu.memory_space<vmem_shared>> -> memref<10112x64xf32, #tpu.memory_space<vmem_shared>>
        tpu.wait_indirect_dma semaphore(%run_scoped3A_304 : memref<!tpu.dma_semaphore, #tpu.memory_space<semaphore_mem>>) src(%dma_wait3A_318 : memref<128x64xf32, #tpu.memory_space<vmem>>) dst(%dma_wait3A_324 : memref<10112x64xf32, #tpu.memory_space<vmem_shared>>)
        tpu.yield
      }) : () -> ()
      %add3A_218 = arith.constant 4 : i32
      %add3A_219 = arith.addi %add3A_202, %add3A_218 : i32
      %dma_start3A_220 = arith.constant 1 : i32
      %dma_start3A_221 = arith.constant 1 : i32
      %dma_start3A_222 = arith.constant 0 : i32
      %dma_start3A_223 = arith.constant 0 : i32
      %dma_start3A_224 = tpu.memref_slice %arg9[%dma_start3A_220, %dma_start3A_222, %dma_start3A_223] : memref<4x128x64xf32, #tpu.memory_space<vmem>> -> memref<1x128x64xf32, #tpu.memory_space<vmem>>
      %dma_start3A_225 = tpu.memref_squeeze %dma_start3A_224 : memref<1x128x64xf32, #tpu.memory_space<vmem>> -> memref<128x64xf32, #tpu.memory_space<vmem>>
      %dma_start3A_226 = arith.constant 0 : i32
      %dma_start3A_227 = tpu.memref_slice %arg7[%add3A_219, %dma_start3A_226] : memref<108x128xi32, #tpu.memory_space<vmem>> -> memref<1x128xi32, #tpu.memory_space<vmem>>
      %dma_start3A_228 = tpu.memref_squeeze %dma_start3A_227 : memref<1x128xi32, #tpu.memory_space<vmem>> -> memref<128xi32, #tpu.memory_space<vmem>>
      %dma_start3A_229 = arith.constant 0 : i32
      %dma_start3A_230 = arith.constant 0 : i32
      %dma_start3A_231 = tpu.memref_slice %arg2[%dma_start3A_229, %dma_start3A_230] : memref<10112x64xf32, #tpu.memory_space<hbm>> -> memref<10112x64xf32, #tpu.memory_space<hbm>>
      %dma_start3A_232 = tpu.memref_slice %arg11[%dma_start3A_221] : memref<4x!tpu.dma_semaphore, #tpu.memory_space<semaphore_mem>> -> memref<1x!tpu.dma_semaphore, #tpu.memory_space<semaphore_mem>>
      %dma_start3A_233 = tpu.memref_squeeze %dma_start3A_232 : memref<1x!tpu.dma_semaphore, #tpu.memory_space<semaphore_mem>> -> memref<!tpu.dma_semaphore, #tpu.memory_space<semaphore_mem>>
      tpu.enqueue_indirect_dma source(%dma_start3A_231 : memref<10112x64xf32, #tpu.memory_space<hbm>>) target(%dma_start3A_225 : memref<128x64xf32, #tpu.memory_space<vmem>>) offsets(%dma_start3A_228 : memref<128xi32, #tpu.memory_space<vmem>>) semaphore(%dma_start3A_233 : memref<!tpu.dma_semaphore, #tpu.memory_space<semaphore_mem>>)
      %mul3A_234 = arith.constant 4 : i32
      %mul3A_235 = arith.muli %while3A_163, %mul3A_234 : i32
      %add3A_236 = arith.constant 2 : i32
      %add3A_237 = arith.addi %mul3A_235, %add3A_236 : i32
      %dma_wait3A_238 = arith.constant 2 : i32
      %dma_wait3A_239 = arith.constant 2 : i32
      %dma_wait3A_240 = arith.constant 0 : i32
      %dma_wait3A_241 = arith.constant 0 : i32
      %dma_wait3A_242 = tpu.memref_slice %arg9[%dma_wait3A_238, %dma_wait3A_240, %dma_wait3A_241] : memref<4x128x64xf32, #tpu.memory_space<vmem>> -> memref<1x128x64xf32, #tpu.memory_space<vmem>>
      %dma_wait3A_243 = tpu.memref_squeeze %dma_wait3A_242 : memref<1x128x64xf32, #tpu.memory_space<vmem>> -> memref<128x64xf32, #tpu.memory_space<vmem>>
      %dma_wait3A_244 = arith.constant 0 : i32
      %dma_wait3A_245 = tpu.memref_slice %arg7[%add3A_237, %dma_wait3A_244] : memref<108x128xi32, #tpu.memory_space<vmem>> -> memref<1x128xi32, #tpu.memory_space<vmem>>
      %dma_wait3A_246 = tpu.memref_squeeze %dma_wait3A_245 : memref<1x128xi32, #tpu.memory_space<vmem>> -> memref<128xi32, #tpu.memory_space<vmem>>
      %dma_wait3A_247 = arith.constant 0 : i32
      %dma_wait3A_248 = arith.constant 0 : i32
      %dma_wait3A_249 = tpu.memref_slice %arg2[%dma_wait3A_247, %dma_wait3A_248] : memref<10112x64xf32, #tpu.memory_space<hbm>> -> memref<10112x64xf32, #tpu.memory_space<hbm>>
      %dma_wait3A_250 = tpu.memref_slice %arg11[%dma_wait3A_239] : memref<4x!tpu.dma_semaphore, #tpu.memory_space<semaphore_mem>> -> memref<1x!tpu.dma_semaphore, #tpu.memory_space<semaphore_mem>>
      %dma_wait3A_251 = tpu.memref_squeeze %dma_wait3A_250 : memref<1x!tpu.dma_semaphore, #tpu.memory_space<semaphore_mem>> -> memref<!tpu.dma_semaphore, #tpu.memory_space<semaphore_mem>>
      tpu.wait_indirect_dma semaphore(%dma_wait3A_251 : memref<!tpu.dma_semaphore, #tpu.memory_space<semaphore_mem>>) src(%dma_wait3A_249 : memref<10112x64xf32, #tpu.memory_space<hbm>>) dst(%dma_wait3A_243 : memref<128x64xf32, #tpu.memory_space<vmem>>)
      %run_scoped3A_252 = arith.constant 2 : i32
      "tpu.region"() ({
        %run_scoped3A_304 = tpu.sem_alloc : memref<!tpu.dma_semaphore, #tpu.memory_space<semaphore_mem>>
        %dma_start3A_305 = arith.constant 0 : i32
        %dma_start3A_306 = arith.constant 0 : i32
        %dma_start3A_307 = tpu.memref_slice %arg9[%run_scoped3A_252, %dma_start3A_305, %dma_start3A_306] : memref<4x128x64xf32, #tpu.memory_space<vmem>> -> memref<1x128x64xf32, #tpu.memory_space<vmem>>
        %dma_start3A_308 = tpu.memref_squeeze %dma_start3A_307 : memref<1x128x64xf32, #tpu.memory_space<vmem>> -> memref<128x64xf32, #tpu.memory_space<vmem>>
        %dma_start3A_309 = arith.constant 0 : i32
        %dma_start3A_310 = tpu.memref_slice %arg8[%add3A_237, %dma_start3A_309] : memref<108x128xi32, #tpu.memory_space<vmem>> -> memref<1x128xi32, #tpu.memory_space<vmem>>
        %dma_start3A_311 = tpu.memref_squeeze %dma_start3A_310 : memref<1x128xi32, #tpu.memory_space<vmem>> -> memref<128xi32, #tpu.memory_space<vmem>>
        %dma_start3A_312 = arith.constant 0 : i32
        %dma_start3A_313 = arith.constant 0 : i32
        %dma_start3A_314 = tpu.memref_slice %arg10[%dma_start3A_312, %dma_start3A_313] : memref<10112x64xf32, #tpu.memory_space<vmem_shared>> -> memref<10112x64xf32, #tpu.memory_space<vmem_shared>>
        tpu.enqueue_indirect_dma source(%dma_start3A_308 : memref<128x64xf32, #tpu.memory_space<vmem>>) target(%dma_start3A_314 : memref<10112x64xf32, #tpu.memory_space<vmem_shared>>) offsets(%dma_start3A_311 : memref<128xi32, #tpu.memory_space<vmem>>) semaphore(%run_scoped3A_304 : memref<!tpu.dma_semaphore, #tpu.memory_space<semaphore_mem>>) {add = true}
        %dma_wait3A_315 = arith.constant 0 : i32
        %dma_wait3A_316 = arith.constant 0 : i32
        %dma_wait3A_317 = tpu.memref_slice %arg9[%run_scoped3A_252, %dma_wait3A_315, %dma_wait3A_316] : memref<4x128x64xf32, #tpu.memory_space<vmem>> -> memref<1x128x64xf32, #tpu.memory_space<vmem>>
        %dma_wait3A_318 = tpu.memref_squeeze %dma_wait3A_317 : memref<1x128x64xf32, #tpu.memory_space<vmem>> -> memref<128x64xf32, #tpu.memory_space<vmem>>
        %dma_wait3A_319 = arith.constant 0 : i32
        %dma_wait3A_320 = tpu.memref_slice %arg8[%add3A_237, %dma_wait3A_319] : memref<108x128xi32, #tpu.memory_space<vmem>> -> memref<1x128xi32, #tpu.memory_space<vmem>>
        %dma_wait3A_321 = tpu.memref_squeeze %dma_wait3A_320 : memref<1x128xi32, #tpu.memory_space<vmem>> -> memref<128xi32, #tpu.memory_space<vmem>>
        %dma_wait3A_322 = arith.constant 0 : i32
        %dma_wait3A_323 = arith.constant 0 : i32
        %dma_wait3A_324 = tpu.memref_slice %arg10[%dma_wait3A_322, %dma_wait3A_323] : memref<10112x64xf32, #tpu.memory_space<vmem_shared>> -> memref<10112x64xf32, #tpu.memory_space<vmem_shared>>
        tpu.wait_indirect_dma semaphore(%run_scoped3A_304 : memref<!tpu.dma_semaphore, #tpu.memory_space<semaphore_mem>>) src(%dma_wait3A_318 : memref<128x64xf32, #tpu.memory_space<vmem>>) dst(%dma_wait3A_324 : memref<10112x64xf32, #tpu.memory_space<vmem_shared>>)
        tpu.yield
      }) : () -> ()
      %add3A_253 = arith.constant 4 : i32
      %add3A_254 = arith.addi %add3A_237, %add3A_253 : i32
      %dma_start3A_255 = arith.constant 2 : i32
      %dma_start3A_256 = arith.constant 2 : i32
      %dma_start3A_257 = arith.constant 0 : i32
      %dma_start3A_258 = arith.constant 0 : i32
      %dma_start3A_259 = tpu.memref_slice %arg9[%dma_start3A_255, %dma_start3A_257, %dma_start3A_258] : memref<4x128x64xf32, #tpu.memory_space<vmem>> -> memref<1x128x64xf32, #tpu.memory_space<vmem>>
      %dma_start3A_260 = tpu.memref_squeeze %dma_start3A_259 : memref<1x128x64xf32, #tpu.memory_space<vmem>> -> memref<128x64xf32, #tpu.memory_space<vmem>>
      %dma_start3A_261 = arith.constant 0 : i32
      %dma_start3A_262 = tpu.memref_slice %arg7[%add3A_254, %dma_start3A_261] : memref<108x128xi32, #tpu.memory_space<vmem>> -> memref<1x128xi32, #tpu.memory_space<vmem>>
      %dma_start3A_263 = tpu.memref_squeeze %dma_start3A_262 : memref<1x128xi32, #tpu.memory_space<vmem>> -> memref<128xi32, #tpu.memory_space<vmem>>
      %dma_start3A_264 = arith.constant 0 : i32
      %dma_start3A_265 = arith.constant 0 : i32
      %dma_start3A_266 = tpu.memref_slice %arg2[%dma_start3A_264, %dma_start3A_265] : memref<10112x64xf32, #tpu.memory_space<hbm>> -> memref<10112x64xf32, #tpu.memory_space<hbm>>
      %dma_start3A_267 = tpu.memref_slice %arg11[%dma_start3A_256] : memref<4x!tpu.dma_semaphore, #tpu.memory_space<semaphore_mem>> -> memref<1x!tpu.dma_semaphore, #tpu.memory_space<semaphore_mem>>
      %dma_start3A_268 = tpu.memref_squeeze %dma_start3A_267 : memref<1x!tpu.dma_semaphore, #tpu.memory_space<semaphore_mem>> -> memref<!tpu.dma_semaphore, #tpu.memory_space<semaphore_mem>>
      tpu.enqueue_indirect_dma source(%dma_start3A_266 : memref<10112x64xf32, #tpu.memory_space<hbm>>) target(%dma_start3A_260 : memref<128x64xf32, #tpu.memory_space<vmem>>) offsets(%dma_start3A_263 : memref<128xi32, #tpu.memory_space<vmem>>) semaphore(%dma_start3A_268 : memref<!tpu.dma_semaphore, #tpu.memory_space<semaphore_mem>>)
      %mul3A_269 = arith.constant 4 : i32
      %mul3A_270 = arith.muli %while3A_163, %mul3A_269 : i32
      %add3A_271 = arith.constant 3 : i32
      %add3A_272 = arith.addi %mul3A_270, %add3A_271 : i32
      %dma_wait3A_273 = arith.constant 3 : i32
      %dma_wait3A_274 = arith.constant 3 : i32
      %dma_wait3A_275 = arith.constant 0 : i32
      %dma_wait3A_276 = arith.constant 0 : i32
      %dma_wait3A_277 = tpu.memref_slice %arg9[%dma_wait3A_273, %dma_wait3A_275, %dma_wait3A_276] : memref<4x128x64xf32, #tpu.memory_space<vmem>> -> memref<1x128x64xf32, #tpu.memory_space<vmem>>
      %dma_wait3A_278 = tpu.memref_squeeze %dma_wait3A_277 : memref<1x128x64xf32, #tpu.memory_space<vmem>> -> memref<128x64xf32, #tpu.memory_space<vmem>>
      %dma_wait3A_279 = arith.constant 0 : i32
      %dma_wait3A_280 = tpu.memref_slice %arg7[%add3A_272, %dma_wait3A_279] : memref<108x128xi32, #tpu.memory_space<vmem>> -> memref<1x128xi32, #tpu.memory_space<vmem>>
      %dma_wait3A_281 = tpu.memref_squeeze %dma_wait3A_280 : memref<1x128xi32, #tpu.memory_space<vmem>> -> memref<128xi32, #tpu.memory_space<vmem>>
      %dma_wait3A_282 = arith.constant 0 : i32
      %dma_wait3A_283 = arith.constant 0 : i32
      %dma_wait3A_284 = tpu.memref_slice %arg2[%dma_wait3A_282, %dma_wait3A_283] : memref<10112x64xf32, #tpu.memory_space<hbm>> -> memref<10112x64xf32, #tpu.memory_space<hbm>>
      %dma_wait3A_285 = tpu.memref_slice %arg11[%dma_wait3A_274] : memref<4x!tpu.dma_semaphore, #tpu.memory_space<semaphore_mem>> -> memref<1x!tpu.dma_semaphore, #tpu.memory_space<semaphore_mem>>
      %dma_wait3A_286 = tpu.memref_squeeze %dma_wait3A_285 : memref<1x!tpu.dma_semaphore, #tpu.memory_space<semaphore_mem>> -> memref<!tpu.dma_semaphore, #tpu.memory_space<semaphore_mem>>
      tpu.wait_indirect_dma semaphore(%dma_wait3A_286 : memref<!tpu.dma_semaphore, #tpu.memory_space<semaphore_mem>>) src(%dma_wait3A_284 : memref<10112x64xf32, #tpu.memory_space<hbm>>) dst(%dma_wait3A_278 : memref<128x64xf32, #tpu.memory_space<vmem>>)
      %run_scoped3A_287 = arith.constant 3 : i32
      "tpu.region"() ({
        %run_scoped3A_304 = tpu.sem_alloc : memref<!tpu.dma_semaphore, #tpu.memory_space<semaphore_mem>>
        %dma_start3A_305 = arith.constant 0 : i32
        %dma_start3A_306 = arith.constant 0 : i32
        %dma_start3A_307 = tpu.memref_slice %arg9[%run_scoped3A_287, %dma_start3A_305, %dma_start3A_306] : memref<4x128x64xf32, #tpu.memory_space<vmem>> -> memref<1x128x64xf32, #tpu.memory_space<vmem>>
        %dma_start3A_308 = tpu.memref_squeeze %dma_start3A_307 : memref<1x128x64xf32, #tpu.memory_space<vmem>> -> memref<128x64xf32, #tpu.memory_space<vmem>>
        %dma_start3A_309 = arith.constant 0 : i32
        %dma_start3A_310 = tpu.memref_slice %arg8[%add3A_272, %dma_start3A_309] : memref<108x128xi32, #tpu.memory_space<vmem>> -> memref<1x128xi32, #tpu.memory_space<vmem>>
        %dma_start3A_311 = tpu.memref_squeeze %dma_start3A_310 : memref<1x128xi32, #tpu.memory_space<vmem>> -> memref<128xi32, #tpu.memory_space<vmem>>
        %dma_start3A_312 = arith.constant 0 : i32
        %dma_start3A_313 = arith.constant 0 : i32
        %dma_start3A_314 = tpu.memref_slice %arg10[%dma_start3A_312, %dma_start3A_313] : memref<10112x64xf32, #tpu.memory_space<vmem_shared>> -> memref<10112x64xf32, #tpu.memory_space<vmem_shared>>
        tpu.enqueue_indirect_dma source(%dma_start3A_308 : memref<128x64xf32, #tpu.memory_space<vmem>>) target(%dma_start3A_314 : memref<10112x64xf32, #tpu.memory_space<vmem_shared>>) offsets(%dma_start3A_311 : memref<128xi32, #tpu.memory_space<vmem>>) semaphore(%run_scoped3A_304 : memref<!tpu.dma_semaphore, #tpu.memory_space<semaphore_mem>>) {add = true}
        %dma_wait3A_315 = arith.constant 0 : i32
        %dma_wait3A_316 = arith.constant 0 : i32
        %dma_wait3A_317 = tpu.memref_slice %arg9[%run_scoped3A_287, %dma_wait3A_315, %dma_wait3A_316] : memref<4x128x64xf32, #tpu.memory_space<vmem>> -> memref<1x128x64xf32, #tpu.memory_space<vmem>>
        %dma_wait3A_318 = tpu.memref_squeeze %dma_wait3A_317 : memref<1x128x64xf32, #tpu.memory_space<vmem>> -> memref<128x64xf32, #tpu.memory_space<vmem>>
        %dma_wait3A_319 = arith.constant 0 : i32
        %dma_wait3A_320 = tpu.memref_slice %arg8[%add3A_272, %dma_wait3A_319] : memref<108x128xi32, #tpu.memory_space<vmem>> -> memref<1x128xi32, #tpu.memory_space<vmem>>
        %dma_wait3A_321 = tpu.memref_squeeze %dma_wait3A_320 : memref<1x128xi32, #tpu.memory_space<vmem>> -> memref<128xi32, #tpu.memory_space<vmem>>
        %dma_wait3A_322 = arith.constant 0 : i32
        %dma_wait3A_323 = arith.constant 0 : i32
        %dma_wait3A_324 = tpu.memref_slice %arg10[%dma_wait3A_322, %dma_wait3A_323] : memref<10112x64xf32, #tpu.memory_space<vmem_shared>> -> memref<10112x64xf32, #tpu.memory_space<vmem_shared>>
        tpu.wait_indirect_dma semaphore(%run_scoped3A_304 : memref<!tpu.dma_semaphore, #tpu.memory_space<semaphore_mem>>) src(%dma_wait3A_318 : memref<128x64xf32, #tpu.memory_space<vmem>>) dst(%dma_wait3A_324 : memref<10112x64xf32, #tpu.memory_space<vmem_shared>>)
        tpu.yield
      }) : () -> ()
      %add3A_288 = arith.constant 4 : i32
      %add3A_289 = arith.addi %add3A_272, %add3A_288 : i32
      %dma_start3A_290 = arith.constant 3 : i32
      %dma_start3A_291 = arith.constant 3 : i32
      %dma_start3A_292 = arith.constant 0 : i32
      %dma_start3A_293 = arith.constant 0 : i32
      %dma_start3A_294 = tpu.memref_slice %arg9[%dma_start3A_290, %dma_start3A_292, %dma_start3A_293] : memref<4x128x64xf32, #tpu.memory_space<vmem>> -> memref<1x128x64xf32, #tpu.memory_space<vmem>>
      %dma_start3A_295 = tpu.memref_squeeze %dma_start3A_294 : memref<1x128x64xf32, #tpu.memory_space<vmem>> -> memref<128x64xf32, #tpu.memory_space<vmem>>
      %dma_start3A_296 = arith.constant 0 : i32
      %dma_start3A_297 = tpu.memref_slice %arg7[%add3A_289, %dma_start3A_296] : memref<108x128xi32, #tpu.memory_space<vmem>> -> memref<1x128xi32, #tpu.memory_space<vmem>>
      %dma_start3A_298 = tpu.memref_squeeze %dma_start3A_297 : memref<1x128xi32, #tpu.memory_space<vmem>> -> memref<128xi32, #tpu.memory_space<vmem>>
      %dma_start3A_299 = arith.constant 0 : i32
      %dma_start3A_300 = arith.constant 0 : i32
      %dma_start3A_301 = tpu.memref_slice %arg2[%dma_start3A_299, %dma_start3A_300] : memref<10112x64xf32, #tpu.memory_space<hbm>> -> memref<10112x64xf32, #tpu.memory_space<hbm>>
      %dma_start3A_302 = tpu.memref_slice %arg11[%dma_start3A_291] : memref<4x!tpu.dma_semaphore, #tpu.memory_space<semaphore_mem>> -> memref<1x!tpu.dma_semaphore, #tpu.memory_space<semaphore_mem>>
      %dma_start3A_303 = tpu.memref_squeeze %dma_start3A_302 : memref<1x!tpu.dma_semaphore, #tpu.memory_space<semaphore_mem>> -> memref<!tpu.dma_semaphore, #tpu.memory_space<semaphore_mem>>
      tpu.enqueue_indirect_dma source(%dma_start3A_301 : memref<10112x64xf32, #tpu.memory_space<hbm>>) target(%dma_start3A_295 : memref<128x64xf32, #tpu.memory_space<vmem>>) offsets(%dma_start3A_298 : memref<128xi32, #tpu.memory_space<vmem>>) semaphore(%dma_start3A_303 : memref<!tpu.dma_semaphore, #tpu.memory_space<semaphore_mem>>)
    }
    %while3A_75 = arith.constant 1 : i32
    scf.for %while3A_163 = %while3A_73 to %while3A_69 step %while3A_75  : i32 {
      %mul3A_164 = arith.constant 4 : i32
      %mul3A_165 = arith.muli %while3A_163, %mul3A_164 : i32
      %add3A_166 = arith.constant 0 : i32
      %add3A_167 = arith.addi %mul3A_165, %add3A_166 : i32
      %dma_wait3A_168 = arith.constant 0 : i32
      %dma_wait3A_169 = arith.constant 0 : i32
      %dma_wait3A_170 = arith.constant 0 : i32
      %dma_wait3A_171 = arith.constant 0 : i32
      %dma_wait3A_172 = tpu.memref_slice %arg9[%dma_wait3A_168, %dma_wait3A_170, %dma_wait3A_171] : memref<4x128x64xf32, #tpu.memory_space<vmem>> -> memref<1x128x64xf32, #tpu.memory_space<vmem>>
      %dma_wait3A_173 = tpu.memref_squeeze %dma_wait3A_172 : memref<1x128x64xf32, #tpu.memory_space<vmem>> -> memref<128x64xf32, #tpu.memory_space<vmem>>
      %dma_wait3A_174 = arith.constant 0 : i32
      %dma_wait3A_175 = tpu.memref_slice %arg7[%add3A_167, %dma_wait3A_174] : memref<108x128xi32, #tpu.memory_space<vmem>> -> memref<1x128xi32, #tpu.memory_space<vmem>>
      %dma_wait3A_176 = tpu.memref_squeeze %dma_wait3A_175 : memref<1x128xi32, #tpu.memory_space<vmem>> -> memref<128xi32, #tpu.memory_space<vmem>>
      %dma_wait3A_177 = arith.constant 0 : i32
      %dma_wait3A_178 = arith.constant 0 : i32
      %dma_wait3A_179 = tpu.memref_slice %arg2[%dma_wait3A_177, %dma_wait3A_178] : memref<10112x64xf32, #tpu.memory_space<hbm>> -> memref<10112x64xf32, #tpu.memory_space<hbm>>
      %dma_wait3A_180 = tpu.memref_slice %arg11[%dma_wait3A_169] : memref<4x!tpu.dma_semaphore, #tpu.memory_space<semaphore_mem>> -> memref<1x!tpu.dma_semaphore, #tpu.memory_space<semaphore_mem>>
      %dma_wait3A_181 = tpu.memref_squeeze %dma_wait3A_180 : memref<1x!tpu.dma_semaphore, #tpu.memory_space<semaphore_mem>> -> memref<!tpu.dma_semaphore, #tpu.memory_space<semaphore_mem>>
      tpu.wait_indirect_dma semaphore(%dma_wait3A_181 : memref<!tpu.dma_semaphore, #tpu.memory_space<semaphore_mem>>) src(%dma_wait3A_179 : memref<10112x64xf32, #tpu.memory_space<hbm>>) dst(%dma_wait3A_173 : memref<128x64xf32, #tpu.memory_space<vmem>>)
      %run_scoped3A_182 = arith.constant 0 : i32
      "tpu.region"() ({
        %run_scoped3A_304 = tpu.sem_alloc : memref<!tpu.dma_semaphore, #tpu.memory_space<semaphore_mem>>
        %dma_start3A_305 = arith.constant 0 : i32
        %dma_start3A_306 = arith.constant 0 : i32
        %dma_start3A_307 = tpu.memref_slice %arg9[%run_scoped3A_182, %dma_start3A_305, %dma_start3A_306] : memref<4x128x64xf32, #tpu.memory_space<vmem>> -> memref<1x128x64xf32, #tpu.memory_space<vmem>>
        %dma_start3A_308 = tpu.memref_squeeze %dma_start3A_307 : memref<1x128x64xf32, #tpu.memory_space<vmem>> -> memref<128x64xf32, #tpu.memory_space<vmem>>
        %dma_start3A_309 = arith.constant 0 : i32
        %dma_start3A_310 = tpu.memref_slice %arg8[%add3A_167, %dma_start3A_309] : memref<108x128xi32, #tpu.memory_space<vmem>> -> memref<1x128xi32, #tpu.memory_space<vmem>>
        %dma_start3A_311 = tpu.memref_squeeze %dma_start3A_310 : memref<1x128xi32, #tpu.memory_space<vmem>> -> memref<128xi32, #tpu.memory_space<vmem>>
        %dma_start3A_312 = arith.constant 0 : i32
        %dma_start3A_313 = arith.constant 0 : i32
        %dma_start3A_314 = tpu.memref_slice %arg10[%dma_start3A_312, %dma_start3A_313] : memref<10112x64xf32, #tpu.memory_space<vmem_shared>> -> memref<10112x64xf32, #tpu.memory_space<vmem_shared>>
        tpu.enqueue_indirect_dma source(%dma_start3A_308 : memref<128x64xf32, #tpu.memory_space<vmem>>) target(%dma_start3A_314 : memref<10112x64xf32, #tpu.memory_space<vmem_shared>>) offsets(%dma_start3A_311 : memref<128xi32, #tpu.memory_space<vmem>>) semaphore(%run_scoped3A_304 : memref<!tpu.dma_semaphore, #tpu.memory_space<semaphore_mem>>) {add = true}
        %dma_wait3A_315 = arith.constant 0 : i32
        %dma_wait3A_316 = arith.constant 0 : i32
        %dma_wait3A_317 = tpu.memref_slice %arg9[%run_scoped3A_182, %dma_wait3A_315, %dma_wait3A_316] : memref<4x128x64xf32, #tpu.memory_space<vmem>> -> memref<1x128x64xf32, #tpu.memory_space<vmem>>
        %dma_wait3A_318 = tpu.memref_squeeze %dma_wait3A_317 : memref<1x128x64xf32, #tpu.memory_space<vmem>> -> memref<128x64xf32, #tpu.memory_space<vmem>>
        %dma_wait3A_319 = arith.constant 0 : i32
        %dma_wait3A_320 = tpu.memref_slice %arg8[%add3A_167, %dma_wait3A_319] : memref<108x128xi32, #tpu.memory_space<vmem>> -> memref<1x128xi32, #tpu.memory_space<vmem>>
        %dma_wait3A_321 = tpu.memref_squeeze %dma_wait3A_320 : memref<1x128xi32, #tpu.memory_space<vmem>> -> memref<128xi32, #tpu.memory_space<vmem>>
        %dma_wait3A_322 = arith.constant 0 : i32
        %dma_wait3A_323 = arith.constant 0 : i32
        %dma_wait3A_324 = tpu.memref_slice %arg10[%dma_wait3A_322, %dma_wait3A_323] : memref<10112x64xf32, #tpu.memory_space<vmem_shared>> -> memref<10112x64xf32, #tpu.memory_space<vmem_shared>>
        tpu.wait_indirect_dma semaphore(%run_scoped3A_304 : memref<!tpu.dma_semaphore, #tpu.memory_space<semaphore_mem>>) src(%dma_wait3A_318 : memref<128x64xf32, #tpu.memory_space<vmem>>) dst(%dma_wait3A_324 : memref<10112x64xf32, #tpu.memory_space<vmem_shared>>)
        tpu.yield
      }) : () -> ()
      %add3A_183 = arith.constant 4 : i32
      %add3A_184 = arith.addi %add3A_167, %add3A_183 : i32
      %dma_start3A_185 = arith.constant 0 : i32
      %dma_start3A_186 = arith.constant 0 : i32
      %dma_start3A_187 = arith.constant 0 : i32
      %dma_start3A_188 = arith.constant 0 : i32
      %dma_start3A_189 = tpu.memref_slice %arg9[%dma_start3A_185, %dma_start3A_187, %dma_start3A_188] : memref<4x128x64xf32, #tpu.memory_space<vmem>> -> memref<1x128x64xf32, #tpu.memory_space<vmem>>
      %dma_start3A_190 = tpu.memref_squeeze %dma_start3A_189 : memref<1x128x64xf32, #tpu.memory_space<vmem>> -> memref<128x64xf32, #tpu.memory_space<vmem>>
      %dma_start3A_191 = arith.constant 0 : i32
      %dma_start3A_192 = tpu.memref_slice %arg7[%add3A_184, %dma_start3A_191] : memref<108x128xi32, #tpu.memory_space<vmem>> -> memref<1x128xi32, #tpu.memory_space<vmem>>
      %dma_start3A_193 = tpu.memref_squeeze %dma_start3A_192 : memref<1x128xi32, #tpu.memory_space<vmem>> -> memref<128xi32, #tpu.memory_space<vmem>>
      %dma_start3A_194 = arith.constant 0 : i32
      %dma_start3A_195 = arith.constant 0 : i32
      %dma_start3A_196 = tpu.memref_slice %arg2[%dma_start3A_194, %dma_start3A_195] : memref<10112x64xf32, #tpu.memory_space<hbm>> -> memref<10112x64xf32, #tpu.memory_space<hbm>>
      %dma_start3A_197 = tpu.memref_slice %arg11[%dma_start3A_186] : memref<4x!tpu.dma_semaphore, #tpu.memory_space<semaphore_mem>> -> memref<1x!tpu.dma_semaphore, #tpu.memory_space<semaphore_mem>>
      %dma_start3A_198 = tpu.memref_squeeze %dma_start3A_197 : memref<1x!tpu.dma_semaphore, #tpu.memory_space<semaphore_mem>> -> memref<!tpu.dma_semaphore, #tpu.memory_space<semaphore_mem>>
      tpu.enqueue_indirect_dma source(%dma_start3A_196 : memref<10112x64xf32, #tpu.memory_space<hbm>>) target(%dma_start3A_190 : memref<128x64xf32, #tpu.memory_space<vmem>>) offsets(%dma_start3A_193 : memref<128xi32, #tpu.memory_space<vmem>>) semaphore(%dma_start3A_198 : memref<!tpu.dma_semaphore, #tpu.memory_space<semaphore_mem>>)
      %mul3A_199 = arith.constant 4 : i32
      %mul3A_200 = arith.muli %while3A_163, %mul3A_199 : i32
      %add3A_201 = arith.constant 1 : i32
      %add3A_202 = arith.addi %mul3A_200, %add3A_201 : i32
      %dma_wait3A_203 = arith.constant 1 : i32
      %dma_wait3A_204 = arith.constant 1 : i32
      %dma_wait3A_205 = arith.constant 0 : i32
      %dma_wait3A_206 = arith.constant 0 : i32
      %dma_wait3A_207 = tpu.memref_slice %arg9[%dma_wait3A_203, %dma_wait3A_205, %dma_wait3A_206] : memref<4x128x64xf32, #tpu.memory_space<vmem>> -> memref<1x128x64xf32, #tpu.memory_space<vmem>>
      %dma_wait3A_208 = tpu.memref_squeeze %dma_wait3A_207 : memref<1x128x64xf32, #tpu.memory_space<vmem>> -> memref<128x64xf32, #tpu.memory_space<vmem>>
      %dma_wait3A_209 = arith.constant 0 : i32
      %dma_wait3A_210 = tpu.memref_slice %arg7[%add3A_202, %dma_wait3A_209] : memref<108x128xi32, #tpu.memory_space<vmem>> -> memref<1x128xi32, #tpu.memory_space<vmem>>
      %dma_wait3A_211 = tpu.memref_squeeze %dma_wait3A_210 : memref<1x128xi32, #tpu.memory_space<vmem>> -> memref<128xi32, #tpu.memory_space<vmem>>
      %dma_wait3A_212 = arith.constant 0 : i32
      %dma_wait3A_213 = arith.constant 0 : i32
      %dma_wait3A_214 = tpu.memref_slice %arg2[%dma_wait3A_212, %dma_wait3A_213] : memref<10112x64xf32, #tpu.memory_space<hbm>> -> memref<10112x64xf32, #tpu.memory_space<hbm>>
      %dma_wait3A_215 = tpu.memref_slice %arg11[%dma_wait3A_204] : memref<4x!tpu.dma_semaphore, #tpu.memory_space<semaphore_mem>> -> memref<1x!tpu.dma_semaphore, #tpu.memory_space<semaphore_mem>>
      %dma_wait3A_216 = tpu.memref_squeeze %dma_wait3A_215 : memref<1x!tpu.dma_semaphore, #tpu.memory_space<semaphore_mem>> -> memref<!tpu.dma_semaphore, #tpu.memory_space<semaphore_mem>>
      tpu.wait_indirect_dma semaphore(%dma_wait3A_216 : memref<!tpu.dma_semaphore, #tpu.memory_space<semaphore_mem>>) src(%dma_wait3A_214 : memref<10112x64xf32, #tpu.memory_space<hbm>>) dst(%dma_wait3A_208 : memref<128x64xf32, #tpu.memory_space<vmem>>)
      %run_scoped3A_217 = arith.constant 1 : i32
      "tpu.region"() ({
        %run_scoped3A_304 = tpu.sem_alloc : memref<!tpu.dma_semaphore, #tpu.memory_space<semaphore_mem>>
        %dma_start3A_305 = arith.constant 0 : i32
        %dma_start3A_306 = arith.constant 0 : i32
        %dma_start3A_307 = tpu.memref_slice %arg9[%run_scoped3A_217, %dma_start3A_305, %dma_start3A_306] : memref<4x128x64xf32, #tpu.memory_space<vmem>> -> memref<1x128x64xf32, #tpu.memory_space<vmem>>
        %dma_start3A_308 = tpu.memref_squeeze %dma_start3A_307 : memref<1x128x64xf32, #tpu.memory_space<vmem>> -> memref<128x64xf32, #tpu.memory_space<vmem>>
        %dma_start3A_309 = arith.constant 0 : i32
        %dma_start3A_310 = tpu.memref_slice %arg8[%add3A_202, %dma_start3A_309] : memref<108x128xi32, #tpu.memory_space<vmem>> -> memref<1x128xi32, #tpu.memory_space<vmem>>
        %dma_start3A_311 = tpu.memref_squeeze %dma_start3A_310 : memref<1x128xi32, #tpu.memory_space<vmem>> -> memref<128xi32, #tpu.memory_space<vmem>>
        %dma_start3A_312 = arith.constant 0 : i32
        %dma_start3A_313 = arith.constant 0 : i32
        %dma_start3A_314 = tpu.memref_slice %arg10[%dma_start3A_312, %dma_start3A_313] : memref<10112x64xf32, #tpu.memory_space<vmem_shared>> -> memref<10112x64xf32, #tpu.memory_space<vmem_shared>>
        tpu.enqueue_indirect_dma source(%dma_start3A_308 : memref<128x64xf32, #tpu.memory_space<vmem>>) target(%dma_start3A_314 : memref<10112x64xf32, #tpu.memory_space<vmem_shared>>) offsets(%dma_start3A_311 : memref<128xi32, #tpu.memory_space<vmem>>) semaphore(%run_scoped3A_304 : memref<!tpu.dma_semaphore, #tpu.memory_space<semaphore_mem>>) {add = true}
        %dma_wait3A_315 = arith.constant 0 : i32
        %dma_wait3A_316 = arith.constant 0 : i32
        %dma_wait3A_317 = tpu.memref_slice %arg9[%run_scoped3A_217, %dma_wait3A_315, %dma_wait3A_316] : memref<4x128x64xf32, #tpu.memory_space<vmem>> -> memref<1x128x64xf32, #tpu.memory_space<vmem>>
        %dma_wait3A_318 = tpu.memref_squeeze %dma_wait3A_317 : memref<1x128x64xf32, #tpu.memory_space<vmem>> -> memref<128x64xf32, #tpu.memory_space<vmem>>
        %dma_wait3A_319 = arith.constant 0 : i32
        %dma_wait3A_320 = tpu.memref_slice %arg8[%add3A_202, %dma_wait3A_319] : memref<108x128xi32, #tpu.memory_space<vmem>> -> memref<1x128xi32, #tpu.memory_space<vmem>>
        %dma_wait3A_321 = tpu.memref_squeeze %dma_wait3A_320 : memref<1x128xi32, #tpu.memory_space<vmem>> -> memref<128xi32, #tpu.memory_space<vmem>>
        %dma_wait3A_322 = arith.constant 0 : i32
        %dma_wait3A_323 = arith.constant 0 : i32
        %dma_wait3A_324 = tpu.memref_slice %arg10[%dma_wait3A_322, %dma_wait3A_323] : memref<10112x64xf32, #tpu.memory_space<vmem_shared>> -> memref<10112x64xf32, #tpu.memory_space<vmem_shared>>
        tpu.wait_indirect_dma semaphore(%run_scoped3A_304 : memref<!tpu.dma_semaphore, #tpu.memory_space<semaphore_mem>>) src(%dma_wait3A_318 : memref<128x64xf32, #tpu.memory_space<vmem>>) dst(%dma_wait3A_324 : memref<10112x64xf32, #tpu.memory_space<vmem_shared>>)
        tpu.yield
      }) : () -> ()
      %add3A_218 = arith.constant 4 : i32
      %add3A_219 = arith.addi %add3A_202, %add3A_218 : i32
      %dma_start3A_220 = arith.constant 1 : i32
      %dma_start3A_221 = arith.constant 1 : i32
      %dma_start3A_222 = arith.constant 0 : i32
      %dma_start3A_223 = arith.constant 0 : i32
      %dma_start3A_224 = tpu.memref_slice %arg9[%dma_start3A_220, %dma_start3A_222, %dma_start3A_223] : memref<4x128x64xf32, #tpu.memory_space<vmem>> -> memref<1x128x64xf32, #tpu.memory_space<vmem>>
      %dma_start3A_225 = tpu.memref_squeeze %dma_start3A_224 : memref<1x128x64xf32, #tpu.memory_space<vmem>> -> memref<128x64xf32, #tpu.memory_space<vmem>>
      %dma_start3A_226 = arith.constant 0 : i32
      %dma_start3A_227 = tpu.memref_slice %arg7[%add3A_219, %dma_start3A_226] : memref<108x128xi32, #tpu.memory_space<vmem>> -> memref<1x128xi32, #tpu.memory_space<vmem>>
      %dma_start3A_228 = tpu.memref_squeeze %dma_start3A_227 : memref<1x128xi32, #tpu.memory_space<vmem>> -> memref<128xi32, #tpu.memory_space<vmem>>
      %dma_start3A_229 = arith.constant 0 : i32
      %dma_start3A_230 = arith.constant 0 : i32
      %dma_start3A_231 = tpu.memref_slice %arg2[%dma_start3A_229, %dma_start3A_230] : memref<10112x64xf32, #tpu.memory_space<hbm>> -> memref<10112x64xf32, #tpu.memory_space<hbm>>
      %dma_start3A_232 = tpu.memref_slice %arg11[%dma_start3A_221] : memref<4x!tpu.dma_semaphore, #tpu.memory_space<semaphore_mem>> -> memref<1x!tpu.dma_semaphore, #tpu.memory_space<semaphore_mem>>
      %dma_start3A_233 = tpu.memref_squeeze %dma_start3A_232 : memref<1x!tpu.dma_semaphore, #tpu.memory_space<semaphore_mem>> -> memref<!tpu.dma_semaphore, #tpu.memory_space<semaphore_mem>>
      tpu.enqueue_indirect_dma source(%dma_start3A_231 : memref<10112x64xf32, #tpu.memory_space<hbm>>) target(%dma_start3A_225 : memref<128x64xf32, #tpu.memory_space<vmem>>) offsets(%dma_start3A_228 : memref<128xi32, #tpu.memory_space<vmem>>) semaphore(%dma_start3A_233 : memref<!tpu.dma_semaphore, #tpu.memory_space<semaphore_mem>>)
      %mul3A_234 = arith.constant 4 : i32
      %mul3A_235 = arith.muli %while3A_163, %mul3A_234 : i32
      %add3A_236 = arith.constant 2 : i32
      %add3A_237 = arith.addi %mul3A_235, %add3A_236 : i32
      %dma_wait3A_238 = arith.constant 2 : i32
      %dma_wait3A_239 = arith.constant 2 : i32
      %dma_wait3A_240 = arith.constant 0 : i32
      %dma_wait3A_241 = arith.constant 0 : i32
      %dma_wait3A_242 = tpu.memref_slice %arg9[%dma_wait3A_238, %dma_wait3A_240, %dma_wait3A_241] : memref<4x128x64xf32, #tpu.memory_space<vmem>> -> memref<1x128x64xf32, #tpu.memory_space<vmem>>
      %dma_wait3A_243 = tpu.memref_squeeze %dma_wait3A_242 : memref<1x128x64xf32, #tpu.memory_space<vmem>> -> memref<128x64xf32, #tpu.memory_space<vmem>>
      %dma_wait3A_244 = arith.constant 0 : i32
      %dma_wait3A_245 = tpu.memref_slice %arg7[%add3A_237, %dma_wait3A_244] : memref<108x128xi32, #tpu.memory_space<vmem>> -> memref<1x128xi32, #tpu.memory_space<vmem>>
      %dma_wait3A_246 = tpu.memref_squeeze %dma_wait3A_245 : memref<1x128xi32, #tpu.memory_space<vmem>> -> memref<128xi32, #tpu.memory_space<vmem>>
      %dma_wait3A_247 = arith.constant 0 : i32
      %dma_wait3A_248 = arith.constant 0 : i32
      %dma_wait3A_249 = tpu.memref_slice %arg2[%dma_wait3A_247, %dma_wait3A_248] : memref<10112x64xf32, #tpu.memory_space<hbm>> -> memref<10112x64xf32, #tpu.memory_space<hbm>>
      %dma_wait3A_250 = tpu.memref_slice %arg11[%dma_wait3A_239] : memref<4x!tpu.dma_semaphore, #tpu.memory_space<semaphore_mem>> -> memref<1x!tpu.dma_semaphore, #tpu.memory_space<semaphore_mem>>
      %dma_wait3A_251 = tpu.memref_squeeze %dma_wait3A_250 : memref<1x!tpu.dma_semaphore, #tpu.memory_space<semaphore_mem>> -> memref<!tpu.dma_semaphore, #tpu.memory_space<semaphore_mem>>
      tpu.wait_indirect_dma semaphore(%dma_wait3A_251 : memref<!tpu.dma_semaphore, #tpu.memory_space<semaphore_mem>>) src(%dma_wait3A_249 : memref<10112x64xf32, #tpu.memory_space<hbm>>) dst(%dma_wait3A_243 : memref<128x64xf32, #tpu.memory_space<vmem>>)
      %run_scoped3A_252 = arith.constant 2 : i32
      "tpu.region"() ({
        %run_scoped3A_304 = tpu.sem_alloc : memref<!tpu.dma_semaphore, #tpu.memory_space<semaphore_mem>>
        %dma_start3A_305 = arith.constant 0 : i32
        %dma_start3A_306 = arith.constant 0 : i32
        %dma_start3A_307 = tpu.memref_slice %arg9[%run_scoped3A_252, %dma_start3A_305, %dma_start3A_306] : memref<4x128x64xf32, #tpu.memory_space<vmem>> -> memref<1x128x64xf32, #tpu.memory_space<vmem>>
        %dma_start3A_308 = tpu.memref_squeeze %dma_start3A_307 : memref<1x128x64xf32, #tpu.memory_space<vmem>> -> memref<128x64xf32, #tpu.memory_space<vmem>>
        %dma_start3A_309 = arith.constant 0 : i32
        %dma_start3A_310 = tpu.memref_slice %arg8[%add3A_237, %dma_start3A_309] : memref<108x128xi32, #tpu.memory_space<vmem>> -> memref<1x128xi32, #tpu.memory_space<vmem>>
        %dma_start3A_311 = tpu.memref_squeeze %dma_start3A_310 : memref<1x128xi32, #tpu.memory_space<vmem>> -> memref<128xi32, #tpu.memory_space<vmem>>
        %dma_start3A_312 = arith.constant 0 : i32
        %dma_start3A_313 = arith.constant 0 : i32
        %dma_start3A_314 = tpu.memref_slice %arg10[%dma_start3A_312, %dma_start3A_313] : memref<10112x64xf32, #tpu.memory_space<vmem_shared>> -> memref<10112x64xf32, #tpu.memory_space<vmem_shared>>
        tpu.enqueue_indirect_dma source(%dma_start3A_308 : memref<128x64xf32, #tpu.memory_space<vmem>>) target(%dma_start3A_314 : memref<10112x64xf32, #tpu.memory_space<vmem_shared>>) offsets(%dma_start3A_311 : memref<128xi32, #tpu.memory_space<vmem>>) semaphore(%run_scoped3A_304 : memref<!tpu.dma_semaphore, #tpu.memory_space<semaphore_mem>>) {add = true}
        %dma_wait3A_315 = arith.constant 0 : i32
        %dma_wait3A_316 = arith.constant 0 : i32
        %dma_wait3A_317 = tpu.memref_slice %arg9[%run_scoped3A_252, %dma_wait3A_315, %dma_wait3A_316] : memref<4x128x64xf32, #tpu.memory_space<vmem>> -> memref<1x128x64xf32, #tpu.memory_space<vmem>>
        %dma_wait3A_318 = tpu.memref_squeeze %dma_wait3A_317 : memref<1x128x64xf32, #tpu.memory_space<vmem>> -> memref<128x64xf32, #tpu.memory_space<vmem>>
        %dma_wait3A_319 = arith.constant 0 : i32
        %dma_wait3A_320 = tpu.memref_slice %arg8[%add3A_237, %dma_wait3A_319] : memref<108x128xi32, #tpu.memory_space<vmem>> -> memref<1x128xi32, #tpu.memory_space<vmem>>
        %dma_wait3A_321 = tpu.memref_squeeze %dma_wait3A_320 : memref<1x128xi32, #tpu.memory_space<vmem>> -> memref<128xi32, #tpu.memory_space<vmem>>
        %dma_wait3A_322 = arith.constant 0 : i32
        %dma_wait3A_323 = arith.constant 0 : i32
        %dma_wait3A_324 = tpu.memref_slice %arg10[%dma_wait3A_322, %dma_wait3A_323] : memref<10112x64xf32, #tpu.memory_space<vmem_shared>> -> memref<10112x64xf32, #tpu.memory_space<vmem_shared>>
        tpu.wait_indirect_dma semaphore(%run_scoped3A_304 : memref<!tpu.dma_semaphore, #tpu.memory_space<semaphore_mem>>) src(%dma_wait3A_318 : memref<128x64xf32, #tpu.memory_space<vmem>>) dst(%dma_wait3A_324 : memref<10112x64xf32, #tpu.memory_space<vmem_shared>>)
        tpu.yield
      }) : () -> ()
      %add3A_253 = arith.constant 4 : i32
      %add3A_254 = arith.addi %add3A_237, %add3A_253 : i32
      %dma_start3A_255 = arith.constant 2 : i32
      %dma_start3A_256 = arith.constant 2 : i32
      %dma_start3A_257 = arith.constant 0 : i32
      %dma_start3A_258 = arith.constant 0 : i32
      %dma_start3A_259 = tpu.memref_slice %arg9[%dma_start3A_255, %dma_start3A_257, %dma_start3A_258] : memref<4x128x64xf32, #tpu.memory_space<vmem>> -> memref<1x128x64xf32, #tpu.memory_space<vmem>>
      %dma_start3A_260 = tpu.memref_squeeze %dma_start3A_259 : memref<1x128x64xf32, #tpu.memory_space<vmem>> -> memref<128x64xf32, #tpu.memory_space<vmem>>
      %dma_start3A_261 = arith.constant 0 : i32
      %dma_start3A_262 = tpu.memref_slice %arg7[%add3A_254, %dma_start3A_261] : memref<108x128xi32, #tpu.memory_space<vmem>> -> memref<1x128xi32, #tpu.memory_space<vmem>>
      %dma_start3A_263 = tpu.memref_squeeze %dma_start3A_262 : memref<1x128xi32, #tpu.memory_space<vmem>> -> memref<128xi32, #tpu.memory_space<vmem>>
      %dma_start3A_264 = arith.constant 0 : i32
      %dma_start3A_265 = arith.constant 0 : i32
      %dma_start3A_266 = tpu.memref_slice %arg2[%dma_start3A_264, %dma_start3A_265] : memref<10112x64xf32, #tpu.memory_space<hbm>> -> memref<10112x64xf32, #tpu.memory_space<hbm>>
      %dma_start3A_267 = tpu.memref_slice %arg11[%dma_start3A_256] : memref<4x!tpu.dma_semaphore, #tpu.memory_space<semaphore_mem>> -> memref<1x!tpu.dma_semaphore, #tpu.memory_space<semaphore_mem>>
      %dma_start3A_268 = tpu.memref_squeeze %dma_start3A_267 : memref<1x!tpu.dma_semaphore, #tpu.memory_space<semaphore_mem>> -> memref<!tpu.dma_semaphore, #tpu.memory_space<semaphore_mem>>
      tpu.enqueue_indirect_dma source(%dma_start3A_266 : memref<10112x64xf32, #tpu.memory_space<hbm>>) target(%dma_start3A_260 : memref<128x64xf32, #tpu.memory_space<vmem>>) offsets(%dma_start3A_263 : memref<128xi32, #tpu.memory_space<vmem>>) semaphore(%dma_start3A_268 : memref<!tpu.dma_semaphore, #tpu.memory_space<semaphore_mem>>)
      %mul3A_269 = arith.constant 4 : i32
      %mul3A_270 = arith.muli %while3A_163, %mul3A_269 : i32
      %add3A_271 = arith.constant 3 : i32
      %add3A_272 = arith.addi %mul3A_270, %add3A_271 : i32
      %dma_wait3A_273 = arith.constant 3 : i32
      %dma_wait3A_274 = arith.constant 3 : i32
      %dma_wait3A_275 = arith.constant 0 : i32
      %dma_wait3A_276 = arith.constant 0 : i32
      %dma_wait3A_277 = tpu.memref_slice %arg9[%dma_wait3A_273, %dma_wait3A_275, %dma_wait3A_276] : memref<4x128x64xf32, #tpu.memory_space<vmem>> -> memref<1x128x64xf32, #tpu.memory_space<vmem>>
      %dma_wait3A_278 = tpu.memref_squeeze %dma_wait3A_277 : memref<1x128x64xf32, #tpu.memory_space<vmem>> -> memref<128x64xf32, #tpu.memory_space<vmem>>
      %dma_wait3A_279 = arith.constant 0 : i32
      %dma_wait3A_280 = tpu.memref_slice %arg7[%add3A_272, %dma_wait3A_279] : memref<108x128xi32, #tpu.memory_space<vmem>> -> memref<1x128xi32, #tpu.memory_space<vmem>>
      %dma_wait3A_281 = tpu.memref_squeeze %dma_wait3A_280 : memref<1x128xi32, #tpu.memory_space<vmem>> -> memref<128xi32, #tpu.memory_space<vmem>>
      %dma_wait3A_282 = arith.constant 0 : i32
      %dma_wait3A_283 = arith.constant 0 : i32
      %dma_wait3A_284 = tpu.memref_slice %arg2[%dma_wait3A_282, %dma_wait3A_283] : memref<10112x64xf32, #tpu.memory_space<hbm>> -> memref<10112x64xf32, #tpu.memory_space<hbm>>
      %dma_wait3A_285 = tpu.memref_slice %arg11[%dma_wait3A_274] : memref<4x!tpu.dma_semaphore, #tpu.memory_space<semaphore_mem>> -> memref<1x!tpu.dma_semaphore, #tpu.memory_space<semaphore_mem>>
      %dma_wait3A_286 = tpu.memref_squeeze %dma_wait3A_285 : memref<1x!tpu.dma_semaphore, #tpu.memory_space<semaphore_mem>> -> memref<!tpu.dma_semaphore, #tpu.memory_space<semaphore_mem>>
      tpu.wait_indirect_dma semaphore(%dma_wait3A_286 : memref<!tpu.dma_semaphore, #tpu.memory_space<semaphore_mem>>) src(%dma_wait3A_284 : memref<10112x64xf32, #tpu.memory_space<hbm>>) dst(%dma_wait3A_278 : memref<128x64xf32, #tpu.memory_space<vmem>>)
      %run_scoped3A_287 = arith.constant 3 : i32
      "tpu.region"() ({
        %run_scoped3A_304 = tpu.sem_alloc : memref<!tpu.dma_semaphore, #tpu.memory_space<semaphore_mem>>
        %dma_start3A_305 = arith.constant 0 : i32
        %dma_start3A_306 = arith.constant 0 : i32
        %dma_start3A_307 = tpu.memref_slice %arg9[%run_scoped3A_287, %dma_start3A_305, %dma_start3A_306] : memref<4x128x64xf32, #tpu.memory_space<vmem>> -> memref<1x128x64xf32, #tpu.memory_space<vmem>>
        %dma_start3A_308 = tpu.memref_squeeze %dma_start3A_307 : memref<1x128x64xf32, #tpu.memory_space<vmem>> -> memref<128x64xf32, #tpu.memory_space<vmem>>
        %dma_start3A_309 = arith.constant 0 : i32
        %dma_start3A_310 = tpu.memref_slice %arg8[%add3A_272, %dma_start3A_309] : memref<108x128xi32, #tpu.memory_space<vmem>> -> memref<1x128xi32, #tpu.memory_space<vmem>>
        %dma_start3A_311 = tpu.memref_squeeze %dma_start3A_310 : memref<1x128xi32, #tpu.memory_space<vmem>> -> memref<128xi32, #tpu.memory_space<vmem>>
        %dma_start3A_312 = arith.constant 0 : i32
        %dma_start3A_313 = arith.constant 0 : i32
        %dma_start3A_314 = tpu.memref_slice %arg10[%dma_start3A_312, %dma_start3A_313] : memref<10112x64xf32, #tpu.memory_space<vmem_shared>> -> memref<10112x64xf32, #tpu.memory_space<vmem_shared>>
        tpu.enqueue_indirect_dma source(%dma_start3A_308 : memref<128x64xf32, #tpu.memory_space<vmem>>) target(%dma_start3A_314 : memref<10112x64xf32, #tpu.memory_space<vmem_shared>>) offsets(%dma_start3A_311 : memref<128xi32, #tpu.memory_space<vmem>>) semaphore(%run_scoped3A_304 : memref<!tpu.dma_semaphore, #tpu.memory_space<semaphore_mem>>) {add = true}
        %dma_wait3A_315 = arith.constant 0 : i32
        %dma_wait3A_316 = arith.constant 0 : i32
        %dma_wait3A_317 = tpu.memref_slice %arg9[%run_scoped3A_287, %dma_wait3A_315, %dma_wait3A_316] : memref<4x128x64xf32, #tpu.memory_space<vmem>> -> memref<1x128x64xf32, #tpu.memory_space<vmem>>
        %dma_wait3A_318 = tpu.memref_squeeze %dma_wait3A_317 : memref<1x128x64xf32, #tpu.memory_space<vmem>> -> memref<128x64xf32, #tpu.memory_space<vmem>>
        %dma_wait3A_319 = arith.constant 0 : i32
        %dma_wait3A_320 = tpu.memref_slice %arg8[%add3A_272, %dma_wait3A_319] : memref<108x128xi32, #tpu.memory_space<vmem>> -> memref<1x128xi32, #tpu.memory_space<vmem>>
        %dma_wait3A_321 = tpu.memref_squeeze %dma_wait3A_320 : memref<1x128xi32, #tpu.memory_space<vmem>> -> memref<128xi32, #tpu.memory_space<vmem>>
        %dma_wait3A_322 = arith.constant 0 : i32
        %dma_wait3A_323 = arith.constant 0 : i32
        %dma_wait3A_324 = tpu.memref_slice %arg10[%dma_wait3A_322, %dma_wait3A_323] : memref<10112x64xf32, #tpu.memory_space<vmem_shared>> -> memref<10112x64xf32, #tpu.memory_space<vmem_shared>>
        tpu.wait_indirect_dma semaphore(%run_scoped3A_304 : memref<!tpu.dma_semaphore, #tpu.memory_space<semaphore_mem>>) src(%dma_wait3A_318 : memref<128x64xf32, #tpu.memory_space<vmem>>) dst(%dma_wait3A_324 : memref<10112x64xf32, #tpu.memory_space<vmem_shared>>)
        tpu.yield
      }) : () -> ()
      %add3A_288 = arith.constant 4 : i32
      %add3A_289 = arith.addi %add3A_272, %add3A_288 : i32
      %dma_start3A_290 = arith.constant 3 : i32
      %dma_start3A_291 = arith.constant 3 : i32
      %dma_start3A_292 = arith.constant 0 : i32
      %dma_start3A_293 = arith.constant 0 : i32
      %dma_start3A_294 = tpu.memref_slice %arg9[%dma_start3A_290, %dma_start3A_292, %dma_start3A_293] : memref<4x128x64xf32, #tpu.memory_space<vmem>> -> memref<1x128x64xf32, #tpu.memory_space<vmem>>
      %dma_start3A_295 = tpu.memref_squeeze %dma_start3A_294 : memref<1x128x64xf32, #tpu.memory_space<vmem>> -> memref<128x64xf32, #tpu.memory_space<vmem>>
      %dma_start3A_296 = arith.constant 0 : i32
      %dma_start3A_297 = tpu.memref_slice %arg7[%add3A_289, %dma_start3A_296] : memref<108x128xi32, #tpu.memory_space<vmem>> -> memref<1x128xi32, #tpu.memory_space<vmem>>
      %dma_start3A_298 = tpu.memref_squeeze %dma_start3A_297 : memref<1x128xi32, #tpu.memory_space<vmem>> -> memref<128xi32, #tpu.memory_space<vmem>>
      %dma_start3A_299 = arith.constant 0 : i32
      %dma_start3A_300 = arith.constant 0 : i32
      %dma_start3A_301 = tpu.memref_slice %arg2[%dma_start3A_299, %dma_start3A_300] : memref<10112x64xf32, #tpu.memory_space<hbm>> -> memref<10112x64xf32, #tpu.memory_space<hbm>>
      %dma_start3A_302 = tpu.memref_slice %arg11[%dma_start3A_291] : memref<4x!tpu.dma_semaphore, #tpu.memory_space<semaphore_mem>> -> memref<1x!tpu.dma_semaphore, #tpu.memory_space<semaphore_mem>>
      %dma_start3A_303 = tpu.memref_squeeze %dma_start3A_302 : memref<1x!tpu.dma_semaphore, #tpu.memory_space<semaphore_mem>> -> memref<!tpu.dma_semaphore, #tpu.memory_space<semaphore_mem>>
      tpu.enqueue_indirect_dma source(%dma_start3A_301 : memref<10112x64xf32, #tpu.memory_space<hbm>>) target(%dma_start3A_295 : memref<128x64xf32, #tpu.memory_space<vmem>>) offsets(%dma_start3A_298 : memref<128xi32, #tpu.memory_space<vmem>>) semaphore(%dma_start3A_303 : memref<!tpu.dma_semaphore, #tpu.memory_space<semaphore_mem>>)
    }
    %sub3A_76 = arith.constant 1 : i32
    %sub3A_77 = arith.subi %select_n3A, %sub3A_76 : i32
    %mul3A_78 = arith.constant 4 : i32
    %mul3A_79 = arith.muli %sub3A_77, %mul3A_78 : i32
    %add3A_80 = arith.constant 0 : i32
    %add3A_81 = arith.addi %mul3A_79, %add3A_80 : i32
    %dma_wait3A = arith.constant 0 : i32
    %dma_wait3A_82 = arith.constant 0 : i32
    %dma_wait3A_83 = arith.constant 0 : i32
    %dma_wait3A_84 = arith.constant 0 : i32
    %dma_wait3A_85 = tpu.memref_slice %arg9[%dma_wait3A, %dma_wait3A_83, %dma_wait3A_84] : memref<4x128x64xf32, #tpu.memory_space<vmem>> -> memref<1x128x64xf32, #tpu.memory_space<vmem>>
    %dma_wait3A_86 = tpu.memref_squeeze %dma_wait3A_85 : memref<1x128x64xf32, #tpu.memory_space<vmem>> -> memref<128x64xf32, #tpu.memory_space<vmem>>
    %dma_wait3A_87 = arith.constant 0 : i32
    %dma_wait3A_88 = tpu.memref_slice %arg7[%add3A_81, %dma_wait3A_87] : memref<108x128xi32, #tpu.memory_space<vmem>> -> memref<1x128xi32, #tpu.memory_space<vmem>>
    %dma_wait3A_89 = tpu.memref_squeeze %dma_wait3A_88 : memref<1x128xi32, #tpu.memory_space<vmem>> -> memref<128xi32, #tpu.memory_space<vmem>>
    %dma_wait3A_90 = arith.constant 0 : i32
    %dma_wait3A_91 = arith.constant 0 : i32
    %dma_wait3A_92 = tpu.memref_slice %arg2[%dma_wait3A_90, %dma_wait3A_91] : memref<10112x64xf32, #tpu.memory_space<hbm>> -> memref<10112x64xf32, #tpu.memory_space<hbm>>
    %dma_wait3A_93 = tpu.memref_slice %arg11[%dma_wait3A_82] : memref<4x!tpu.dma_semaphore, #tpu.memory_space<semaphore_mem>> -> memref<1x!tpu.dma_semaphore, #tpu.memory_space<semaphore_mem>>
    %dma_wait3A_94 = tpu.memref_squeeze %dma_wait3A_93 : memref<1x!tpu.dma_semaphore, #tpu.memory_space<semaphore_mem>> -> memref<!tpu.dma_semaphore, #tpu.memory_space<semaphore_mem>>
    tpu.wait_indirect_dma semaphore(%dma_wait3A_94 : memref<!tpu.dma_semaphore, #tpu.memory_space<semaphore_mem>>) src(%dma_wait3A_92 : memref<10112x64xf32, #tpu.memory_space<hbm>>) dst(%dma_wait3A_86 : memref<128x64xf32, #tpu.memory_space<vmem>>)
    %run_scoped3A = arith.constant 0 : i32
    "tpu.region"() ({
      %run_scoped3A_163 = tpu.sem_alloc : memref<!tpu.dma_semaphore, #tpu.memory_space<semaphore_mem>>
      %dma_start3A_164 = arith.constant 0 : i32
      %dma_start3A_165 = arith.constant 0 : i32
      %dma_start3A_166 = tpu.memref_slice %arg9[%run_scoped3A, %dma_start3A_164, %dma_start3A_165] : memref<4x128x64xf32, #tpu.memory_space<vmem>> -> memref<1x128x64xf32, #tpu.memory_space<vmem>>
      %dma_start3A_167 = tpu.memref_squeeze %dma_start3A_166 : memref<1x128x64xf32, #tpu.memory_space<vmem>> -> memref<128x64xf32, #tpu.memory_space<vmem>>
      %dma_start3A_168 = arith.constant 0 : i32
      %dma_start3A_169 = tpu.memref_slice %arg8[%add3A_81, %dma_start3A_168] : memref<108x128xi32, #tpu.memory_space<vmem>> -> memref<1x128xi32, #tpu.memory_space<vmem>>
      %dma_start3A_170 = tpu.memref_squeeze %dma_start3A_169 : memref<1x128xi32, #tpu.memory_space<vmem>> -> memref<128xi32, #tpu.memory_space<vmem>>
      %dma_start3A_171 = arith.constant 0 : i32
      %dma_start3A_172 = arith.constant 0 : i32
      %dma_start3A_173 = tpu.memref_slice %arg10[%dma_start3A_171, %dma_start3A_172] : memref<10112x64xf32, #tpu.memory_space<vmem_shared>> -> memref<10112x64xf32, #tpu.memory_space<vmem_shared>>
      tpu.enqueue_indirect_dma source(%dma_start3A_167 : memref<128x64xf32, #tpu.memory_space<vmem>>) target(%dma_start3A_173 : memref<10112x64xf32, #tpu.memory_space<vmem_shared>>) offsets(%dma_start3A_170 : memref<128xi32, #tpu.memory_space<vmem>>) semaphore(%run_scoped3A_163 : memref<!tpu.dma_semaphore, #tpu.memory_space<semaphore_mem>>) {add = true}
      %dma_wait3A_174 = arith.constant 0 : i32
      %dma_wait3A_175 = arith.constant 0 : i32
      %dma_wait3A_176 = tpu.memref_slice %arg9[%run_scoped3A, %dma_wait3A_174, %dma_wait3A_175] : memref<4x128x64xf32, #tpu.memory_space<vmem>> -> memref<1x128x64xf32, #tpu.memory_space<vmem>>
      %dma_wait3A_177 = tpu.memref_squeeze %dma_wait3A_176 : memref<1x128x64xf32, #tpu.memory_space<vmem>> -> memref<128x64xf32, #tpu.memory_space<vmem>>
      %dma_wait3A_178 = arith.constant 0 : i32
      %dma_wait3A_179 = tpu.memref_slice %arg8[%add3A_81, %dma_wait3A_178] : memref<108x128xi32, #tpu.memory_space<vmem>> -> memref<1x128xi32, #tpu.memory_space<vmem>>
      %dma_wait3A_180 = tpu.memref_squeeze %dma_wait3A_179 : memref<1x128xi32, #tpu.memory_space<vmem>> -> memref<128xi32, #tpu.memory_space<vmem>>
      %dma_wait3A_181 = arith.constant 0 : i32
      %dma_wait3A_182 = arith.constant 0 : i32
      %dma_wait3A_183 = tpu.memref_slice %arg10[%dma_wait3A_181, %dma_wait3A_182] : memref<10112x64xf32, #tpu.memory_space<vmem_shared>> -> memref<10112x64xf32, #tpu.memory_space<vmem_shared>>
      tpu.wait_indirect_dma semaphore(%run_scoped3A_163 : memref<!tpu.dma_semaphore, #tpu.memory_space<semaphore_mem>>) src(%dma_wait3A_177 : memref<128x64xf32, #tpu.memory_space<vmem>>) dst(%dma_wait3A_183 : memref<10112x64xf32, #tpu.memory_space<vmem_shared>>)
      tpu.yield
    }) : () -> ()
    %sub3A_95 = arith.constant 1 : i32
    %sub3A_96 = arith.subi %select_n3A, %sub3A_95 : i32
    %mul3A_97 = arith.constant 4 : i32
    %mul3A_98 = arith.muli %sub3A_96, %mul3A_97 : i32
    %add3A_99 = arith.constant 1 : i32
    %add3A_100 = arith.addi %mul3A_98, %add3A_99 : i32
    %dma_wait3A_101 = arith.constant 1 : i32
    %dma_wait3A_102 = arith.constant 1 : i32
    %dma_wait3A_103 = arith.constant 0 : i32
    %dma_wait3A_104 = arith.constant 0 : i32
    %dma_wait3A_105 = tpu.memref_slice %arg9[%dma_wait3A_101, %dma_wait3A_103, %dma_wait3A_104] : memref<4x128x64xf32, #tpu.memory_space<vmem>> -> memref<1x128x64xf32, #tpu.memory_space<vmem>>
    %dma_wait3A_106 = tpu.memref_squeeze %dma_wait3A_105 : memref<1x128x64xf32, #tpu.memory_space<vmem>> -> memref<128x64xf32, #tpu.memory_space<vmem>>
    %dma_wait3A_107 = arith.constant 0 : i32
    %dma_wait3A_108 = tpu.memref_slice %arg7[%add3A_100, %dma_wait3A_107] : memref<108x128xi32, #tpu.memory_space<vmem>> -> memref<1x128xi32, #tpu.memory_space<vmem>>
    %dma_wait3A_109 = tpu.memref_squeeze %dma_wait3A_108 : memref<1x128xi32, #tpu.memory_space<vmem>> -> memref<128xi32, #tpu.memory_space<vmem>>
    %dma_wait3A_110 = arith.constant 0 : i32
    %dma_wait3A_111 = arith.constant 0 : i32
    %dma_wait3A_112 = tpu.memref_slice %arg2[%dma_wait3A_110, %dma_wait3A_111] : memref<10112x64xf32, #tpu.memory_space<hbm>> -> memref<10112x64xf32, #tpu.memory_space<hbm>>
    %dma_wait3A_113 = tpu.memref_slice %arg11[%dma_wait3A_102] : memref<4x!tpu.dma_semaphore, #tpu.memory_space<semaphore_mem>> -> memref<1x!tpu.dma_semaphore, #tpu.memory_space<semaphore_mem>>
    %dma_wait3A_114 = tpu.memref_squeeze %dma_wait3A_113 : memref<1x!tpu.dma_semaphore, #tpu.memory_space<semaphore_mem>> -> memref<!tpu.dma_semaphore, #tpu.memory_space<semaphore_mem>>
    tpu.wait_indirect_dma semaphore(%dma_wait3A_114 : memref<!tpu.dma_semaphore, #tpu.memory_space<semaphore_mem>>) src(%dma_wait3A_112 : memref<10112x64xf32, #tpu.memory_space<hbm>>) dst(%dma_wait3A_106 : memref<128x64xf32, #tpu.memory_space<vmem>>)
    %run_scoped3A_115 = arith.constant 1 : i32
    "tpu.region"() ({
      %run_scoped3A_163 = tpu.sem_alloc : memref<!tpu.dma_semaphore, #tpu.memory_space<semaphore_mem>>
      %dma_start3A_164 = arith.constant 0 : i32
      %dma_start3A_165 = arith.constant 0 : i32
      %dma_start3A_166 = tpu.memref_slice %arg9[%run_scoped3A_115, %dma_start3A_164, %dma_start3A_165] : memref<4x128x64xf32, #tpu.memory_space<vmem>> -> memref<1x128x64xf32, #tpu.memory_space<vmem>>
      %dma_start3A_167 = tpu.memref_squeeze %dma_start3A_166 : memref<1x128x64xf32, #tpu.memory_space<vmem>> -> memref<128x64xf32, #tpu.memory_space<vmem>>
      %dma_start3A_168 = arith.constant 0 : i32
      %dma_start3A_169 = tpu.memref_slice %arg8[%add3A_100, %dma_start3A_168] : memref<108x128xi32, #tpu.memory_space<vmem>> -> memref<1x128xi32, #tpu.memory_space<vmem>>
      %dma_start3A_170 = tpu.memref_squeeze %dma_start3A_169 : memref<1x128xi32, #tpu.memory_space<vmem>> -> memref<128xi32, #tpu.memory_space<vmem>>
      %dma_start3A_171 = arith.constant 0 : i32
      %dma_start3A_172 = arith.constant 0 : i32
      %dma_start3A_173 = tpu.memref_slice %arg10[%dma_start3A_171, %dma_start3A_172] : memref<10112x64xf32, #tpu.memory_space<vmem_shared>> -> memref<10112x64xf32, #tpu.memory_space<vmem_shared>>
      tpu.enqueue_indirect_dma source(%dma_start3A_167 : memref<128x64xf32, #tpu.memory_space<vmem>>) target(%dma_start3A_173 : memref<10112x64xf32, #tpu.memory_space<vmem_shared>>) offsets(%dma_start3A_170 : memref<128xi32, #tpu.memory_space<vmem>>) semaphore(%run_scoped3A_163 : memref<!tpu.dma_semaphore, #tpu.memory_space<semaphore_mem>>) {add = true}
      %dma_wait3A_174 = arith.constant 0 : i32
      %dma_wait3A_175 = arith.constant 0 : i32
      %dma_wait3A_176 = tpu.memref_slice %arg9[%run_scoped3A_115, %dma_wait3A_174, %dma_wait3A_175] : memref<4x128x64xf32, #tpu.memory_space<vmem>> -> memref<1x128x64xf32, #tpu.memory_space<vmem>>
      %dma_wait3A_177 = tpu.memref_squeeze %dma_wait3A_176 : memref<1x128x64xf32, #tpu.memory_space<vmem>> -> memref<128x64xf32, #tpu.memory_space<vmem>>
      %dma_wait3A_178 = arith.constant 0 : i32
      %dma_wait3A_179 = tpu.memref_slice %arg8[%add3A_100, %dma_wait3A_178] : memref<108x128xi32, #tpu.memory_space<vmem>> -> memref<1x128xi32, #tpu.memory_space<vmem>>
      %dma_wait3A_180 = tpu.memref_squeeze %dma_wait3A_179 : memref<1x128xi32, #tpu.memory_space<vmem>> -> memref<128xi32, #tpu.memory_space<vmem>>
      %dma_wait3A_181 = arith.constant 0 : i32
      %dma_wait3A_182 = arith.constant 0 : i32
      %dma_wait3A_183 = tpu.memref_slice %arg10[%dma_wait3A_181, %dma_wait3A_182] : memref<10112x64xf32, #tpu.memory_space<vmem_shared>> -> memref<10112x64xf32, #tpu.memory_space<vmem_shared>>
      tpu.wait_indirect_dma semaphore(%run_scoped3A_163 : memref<!tpu.dma_semaphore, #tpu.memory_space<semaphore_mem>>) src(%dma_wait3A_177 : memref<128x64xf32, #tpu.memory_space<vmem>>) dst(%dma_wait3A_183 : memref<10112x64xf32, #tpu.memory_space<vmem_shared>>)
      tpu.yield
    }) : () -> ()
    %sub3A_116 = arith.constant 1 : i32
    %sub3A_117 = arith.subi %select_n3A, %sub3A_116 : i32
    %mul3A_118 = arith.constant 4 : i32
    %mul3A_119 = arith.muli %sub3A_117, %mul3A_118 : i32
    %add3A_120 = arith.constant 2 : i32
    %add3A_121 = arith.addi %mul3A_119, %add3A_120 : i32
    %dma_wait3A_122 = arith.constant 2 : i32
    %dma_wait3A_123 = arith.constant 2 : i32
    %dma_wait3A_124 = arith.constant 0 : i32
    %dma_wait3A_125 = arith.constant 0 : i32
    %dma_wait3A_126 = tpu.memref_slice %arg9[%dma_wait3A_122, %dma_wait3A_124, %dma_wait3A_125] : memref<4x128x64xf32, #tpu.memory_space<vmem>> -> memref<1x128x64xf32, #tpu.memory_space<vmem>>
    %dma_wait3A_127 = tpu.memref_squeeze %dma_wait3A_126 : memref<1x128x64xf32, #tpu.memory_space<vmem>> -> memref<128x64xf32, #tpu.memory_space<vmem>>
    %dma_wait3A_128 = arith.constant 0 : i32
    %dma_wait3A_129 = tpu.memref_slice %arg7[%add3A_121, %dma_wait3A_128] : memref<108x128xi32, #tpu.memory_space<vmem>> -> memref<1x128xi32, #tpu.memory_space<vmem>>
    %dma_wait3A_130 = tpu.memref_squeeze %dma_wait3A_129 : memref<1x128xi32, #tpu.memory_space<vmem>> -> memref<128xi32, #tpu.memory_space<vmem>>
    %dma_wait3A_131 = arith.constant 0 : i32
    %dma_wait3A_132 = arith.constant 0 : i32
    %dma_wait3A_133 = tpu.memref_slice %arg2[%dma_wait3A_131, %dma_wait3A_132] : memref<10112x64xf32, #tpu.memory_space<hbm>> -> memref<10112x64xf32, #tpu.memory_space<hbm>>
    %dma_wait3A_134 = tpu.memref_slice %arg11[%dma_wait3A_123] : memref<4x!tpu.dma_semaphore, #tpu.memory_space<semaphore_mem>> -> memref<1x!tpu.dma_semaphore, #tpu.memory_space<semaphore_mem>>
    %dma_wait3A_135 = tpu.memref_squeeze %dma_wait3A_134 : memref<1x!tpu.dma_semaphore, #tpu.memory_space<semaphore_mem>> -> memref<!tpu.dma_semaphore, #tpu.memory_space<semaphore_mem>>
    tpu.wait_indirect_dma semaphore(%dma_wait3A_135 : memref<!tpu.dma_semaphore, #tpu.memory_space<semaphore_mem>>) src(%dma_wait3A_133 : memref<10112x64xf32, #tpu.memory_space<hbm>>) dst(%dma_wait3A_127 : memref<128x64xf32, #tpu.memory_space<vmem>>)
    %run_scoped3A_136 = arith.constant 2 : i32
    "tpu.region"() ({
      %run_scoped3A_163 = tpu.sem_alloc : memref<!tpu.dma_semaphore, #tpu.memory_space<semaphore_mem>>
      %dma_start3A_164 = arith.constant 0 : i32
      %dma_start3A_165 = arith.constant 0 : i32
      %dma_start3A_166 = tpu.memref_slice %arg9[%run_scoped3A_136, %dma_start3A_164, %dma_start3A_165] : memref<4x128x64xf32, #tpu.memory_space<vmem>> -> memref<1x128x64xf32, #tpu.memory_space<vmem>>
      %dma_start3A_167 = tpu.memref_squeeze %dma_start3A_166 : memref<1x128x64xf32, #tpu.memory_space<vmem>> -> memref<128x64xf32, #tpu.memory_space<vmem>>
      %dma_start3A_168 = arith.constant 0 : i32
      %dma_start3A_169 = tpu.memref_slice %arg8[%add3A_121, %dma_start3A_168] : memref<108x128xi32, #tpu.memory_space<vmem>> -> memref<1x128xi32, #tpu.memory_space<vmem>>
      %dma_start3A_170 = tpu.memref_squeeze %dma_start3A_169 : memref<1x128xi32, #tpu.memory_space<vmem>> -> memref<128xi32, #tpu.memory_space<vmem>>
      %dma_start3A_171 = arith.constant 0 : i32
      %dma_start3A_172 = arith.constant 0 : i32
      %dma_start3A_173 = tpu.memref_slice %arg10[%dma_start3A_171, %dma_start3A_172] : memref<10112x64xf32, #tpu.memory_space<vmem_shared>> -> memref<10112x64xf32, #tpu.memory_space<vmem_shared>>
      tpu.enqueue_indirect_dma source(%dma_start3A_167 : memref<128x64xf32, #tpu.memory_space<vmem>>) target(%dma_start3A_173 : memref<10112x64xf32, #tpu.memory_space<vmem_shared>>) offsets(%dma_start3A_170 : memref<128xi32, #tpu.memory_space<vmem>>) semaphore(%run_scoped3A_163 : memref<!tpu.dma_semaphore, #tpu.memory_space<semaphore_mem>>) {add = true}
      %dma_wait3A_174 = arith.constant 0 : i32
      %dma_wait3A_175 = arith.constant 0 : i32
      %dma_wait3A_176 = tpu.memref_slice %arg9[%run_scoped3A_136, %dma_wait3A_174, %dma_wait3A_175] : memref<4x128x64xf32, #tpu.memory_space<vmem>> -> memref<1x128x64xf32, #tpu.memory_space<vmem>>
      %dma_wait3A_177 = tpu.memref_squeeze %dma_wait3A_176 : memref<1x128x64xf32, #tpu.memory_space<vmem>> -> memref<128x64xf32, #tpu.memory_space<vmem>>
      %dma_wait3A_178 = arith.constant 0 : i32
      %dma_wait3A_179 = tpu.memref_slice %arg8[%add3A_121, %dma_wait3A_178] : memref<108x128xi32, #tpu.memory_space<vmem>> -> memref<1x128xi32, #tpu.memory_space<vmem>>
      %dma_wait3A_180 = tpu.memref_squeeze %dma_wait3A_179 : memref<1x128xi32, #tpu.memory_space<vmem>> -> memref<128xi32, #tpu.memory_space<vmem>>
      %dma_wait3A_181 = arith.constant 0 : i32
      %dma_wait3A_182 = arith.constant 0 : i32
      %dma_wait3A_183 = tpu.memref_slice %arg10[%dma_wait3A_181, %dma_wait3A_182] : memref<10112x64xf32, #tpu.memory_space<vmem_shared>> -> memref<10112x64xf32, #tpu.memory_space<vmem_shared>>
      tpu.wait_indirect_dma semaphore(%run_scoped3A_163 : memref<!tpu.dma_semaphore, #tpu.memory_space<semaphore_mem>>) src(%dma_wait3A_177 : memref<128x64xf32, #tpu.memory_space<vmem>>) dst(%dma_wait3A_183 : memref<10112x64xf32, #tpu.memory_space<vmem_shared>>)
      tpu.yield
    }) : () -> ()
    %sub3A_137 = arith.constant 1 : i32
    %sub3A_138 = arith.subi %select_n3A, %sub3A_137 : i32
    %mul3A_139 = arith.constant 4 : i32
    %mul3A_140 = arith.muli %sub3A_138, %mul3A_139 : i32
    %add3A_141 = arith.constant 3 : i32
    %add3A_142 = arith.addi %mul3A_140, %add3A_141 : i32
    %dma_wait3A_143 = arith.constant 3 : i32
    %dma_wait3A_144 = arith.constant 3 : i32
    %dma_wait3A_145 = arith.constant 0 : i32
    %dma_wait3A_146 = arith.constant 0 : i32
    %dma_wait3A_147 = tpu.memref_slice %arg9[%dma_wait3A_143, %dma_wait3A_145, %dma_wait3A_146] : memref<4x128x64xf32, #tpu.memory_space<vmem>> -> memref<1x128x64xf32, #tpu.memory_space<vmem>>
    %dma_wait3A_148 = tpu.memref_squeeze %dma_wait3A_147 : memref<1x128x64xf32, #tpu.memory_space<vmem>> -> memref<128x64xf32, #tpu.memory_space<vmem>>
    %dma_wait3A_149 = arith.constant 0 : i32
    %dma_wait3A_150 = tpu.memref_slice %arg7[%add3A_142, %dma_wait3A_149] : memref<108x128xi32, #tpu.memory_space<vmem>> -> memref<1x128xi32, #tpu.memory_space<vmem>>
    %dma_wait3A_151 = tpu.memref_squeeze %dma_wait3A_150 : memref<1x128xi32, #tpu.memory_space<vmem>> -> memref<128xi32, #tpu.memory_space<vmem>>
    %dma_wait3A_152 = arith.constant 0 : i32
    %dma_wait3A_153 = arith.constant 0 : i32
    %dma_wait3A_154 = tpu.memref_slice %arg2[%dma_wait3A_152, %dma_wait3A_153] : memref<10112x64xf32, #tpu.memory_space<hbm>> -> memref<10112x64xf32, #tpu.memory_space<hbm>>
    %dma_wait3A_155 = tpu.memref_slice %arg11[%dma_wait3A_144] : memref<4x!tpu.dma_semaphore, #tpu.memory_space<semaphore_mem>> -> memref<1x!tpu.dma_semaphore, #tpu.memory_space<semaphore_mem>>
    %dma_wait3A_156 = tpu.memref_squeeze %dma_wait3A_155 : memref<1x!tpu.dma_semaphore, #tpu.memory_space<semaphore_mem>> -> memref<!tpu.dma_semaphore, #tpu.memory_space<semaphore_mem>>
    tpu.wait_indirect_dma semaphore(%dma_wait3A_156 : memref<!tpu.dma_semaphore, #tpu.memory_space<semaphore_mem>>) src(%dma_wait3A_154 : memref<10112x64xf32, #tpu.memory_space<hbm>>) dst(%dma_wait3A_148 : memref<128x64xf32, #tpu.memory_space<vmem>>)
    %run_scoped3A_157 = arith.constant 3 : i32
    "tpu.region"() ({
      %run_scoped3A_163 = tpu.sem_alloc : memref<!tpu.dma_semaphore, #tpu.memory_space<semaphore_mem>>
      %dma_start3A_164 = arith.constant 0 : i32
      %dma_start3A_165 = arith.constant 0 : i32
      %dma_start3A_166 = tpu.memref_slice %arg9[%run_scoped3A_157, %dma_start3A_164, %dma_start3A_165] : memref<4x128x64xf32, #tpu.memory_space<vmem>> -> memref<1x128x64xf32, #tpu.memory_space<vmem>>
      %dma_start3A_167 = tpu.memref_squeeze %dma_start3A_166 : memref<1x128x64xf32, #tpu.memory_space<vmem>> -> memref<128x64xf32, #tpu.memory_space<vmem>>
      %dma_start3A_168 = arith.constant 0 : i32
      %dma_start3A_169 = tpu.memref_slice %arg8[%add3A_142, %dma_start3A_168] : memref<108x128xi32, #tpu.memory_space<vmem>> -> memref<1x128xi32, #tpu.memory_space<vmem>>
      %dma_start3A_170 = tpu.memref_squeeze %dma_start3A_169 : memref<1x128xi32, #tpu.memory_space<vmem>> -> memref<128xi32, #tpu.memory_space<vmem>>
      %dma_start3A_171 = arith.constant 0 : i32
      %dma_start3A_172 = arith.constant 0 : i32
      %dma_start3A_173 = tpu.memref_slice %arg10[%dma_start3A_171, %dma_start3A_172] : memref<10112x64xf32, #tpu.memory_space<vmem_shared>> -> memref<10112x64xf32, #tpu.memory_space<vmem_shared>>
      tpu.enqueue_indirect_dma source(%dma_start3A_167 : memref<128x64xf32, #tpu.memory_space<vmem>>) target(%dma_start3A_173 : memref<10112x64xf32, #tpu.memory_space<vmem_shared>>) offsets(%dma_start3A_170 : memref<128xi32, #tpu.memory_space<vmem>>) semaphore(%run_scoped3A_163 : memref<!tpu.dma_semaphore, #tpu.memory_space<semaphore_mem>>) {add = true}
      %dma_wait3A_174 = arith.constant 0 : i32
      %dma_wait3A_175 = arith.constant 0 : i32
      %dma_wait3A_176 = tpu.memref_slice %arg9[%run_scoped3A_157, %dma_wait3A_174, %dma_wait3A_175] : memref<4x128x64xf32, #tpu.memory_space<vmem>> -> memref<1x128x64xf32, #tpu.memory_space<vmem>>
      %dma_wait3A_177 = tpu.memref_squeeze %dma_wait3A_176 : memref<1x128x64xf32, #tpu.memory_space<vmem>> -> memref<128x64xf32, #tpu.memory_space<vmem>>
      %dma_wait3A_178 = arith.constant 0 : i32
      %dma_wait3A_179 = tpu.memref_slice %arg8[%add3A_142, %dma_wait3A_178] : memref<108x128xi32, #tpu.memory_space<vmem>> -> memref<1x128xi32, #tpu.memory_space<vmem>>
      %dma_wait3A_180 = tpu.memref_squeeze %dma_wait3A_179 : memref<1x128xi32, #tpu.memory_space<vmem>> -> memref<128xi32, #tpu.memory_space<vmem>>
      %dma_wait3A_181 = arith.constant 0 : i32
      %dma_wait3A_182 = arith.constant 0 : i32
      %dma_wait3A_183 = tpu.memref_slice %arg10[%dma_wait3A_181, %dma_wait3A_182] : memref<10112x64xf32, #tpu.memory_space<vmem_shared>> -> memref<10112x64xf32, #tpu.memory_space<vmem_shared>>
      tpu.wait_indirect_dma semaphore(%run_scoped3A_163 : memref<!tpu.dma_semaphore, #tpu.memory_space<semaphore_mem>>) src(%dma_wait3A_177 : memref<128x64xf32, #tpu.memory_space<vmem>>) dst(%dma_wait3A_183 : memref<10112x64xf32, #tpu.memory_space<vmem_shared>>)
      tpu.yield
    }) : () -> ()
    %barrier3A_158 = arith.constant 0 : index
    tpu.barrier barrier_id(%barrier3A_158)
    %mul3A_159 = arith.constant 632 : i32
    %mul3A_160 = arith.muli %arg1, %mul3A_159 : i32
    %mul3A_161 = arith.constant 632 : i32
    %mul3A_162 = arith.muli %arg1, %mul3A_161 : i32
    "tpu.region"() ({
      %run_scoped3A_163 = tpu.sem_alloc : memref<!tpu.dma_semaphore, #tpu.memory_space<semaphore_mem>>
      %dma_start3A_164 = arith.constant 0 : i32
      %dma_start3A_165 = tpu.memref_slice %arg6[%arg0, %mul3A_162, %dma_start3A_164] : memref<2x10112x64xf32, #tpu.memory_space<hbm>> -> memref<1x632x64xf32, #tpu.memory_space<hbm>>
      %dma_start3A_166 = tpu.memref_squeeze %dma_start3A_165 : memref<1x632x64xf32, #tpu.memory_space<hbm>> -> memref<632x64xf32, #tpu.memory_space<hbm>>
      %dma_start3A_167 = arith.constant 0 : i32
      %dma_start3A_168 = tpu.memref_slice %arg10[%mul3A_160, %dma_start3A_167] : memref<10112x64xf32, #tpu.memory_space<vmem_shared>> -> memref<632x64xf32, #tpu.memory_space<vmem_shared>>
      tpu.enqueue_dma source(%dma_start3A_168 : memref<632x64xf32, #tpu.memory_space<vmem_shared>>) target(%dma_start3A_166 : memref<632x64xf32, #tpu.memory_space<hbm>>) target_semaphore(%run_scoped3A_163 : memref<!tpu.dma_semaphore, #tpu.memory_space<semaphore_mem>>)
      %dma_wait3A_169 = arith.constant 0 : i32
      %dma_wait3A_170 = tpu.memref_slice %arg6[%arg0, %mul3A_162, %dma_wait3A_169] : memref<2x10112x64xf32, #tpu.memory_space<hbm>> -> memref<1x632x64xf32, #tpu.memory_space<hbm>>
      %dma_wait3A_171 = tpu.memref_squeeze %dma_wait3A_170 : memref<1x632x64xf32, #tpu.memory_space<hbm>> -> memref<632x64xf32, #tpu.memory_space<hbm>>
      %dma_wait3A_172 = arith.constant 0 : i32
      %dma_wait3A_173 = tpu.memref_slice %arg10[%mul3A_160, %dma_wait3A_172] : memref<10112x64xf32, #tpu.memory_space<vmem_shared>> -> memref<632x64xf32, #tpu.memory_space<vmem_shared>>
      tpu.wait_dma2 semaphore(%run_scoped3A_163 : memref<!tpu.dma_semaphore, #tpu.memory_space<semaphore_mem>>) src(%dma_wait3A_173 : memref<632x64xf32, #tpu.memory_space<vmem_shared>>) dst(%dma_wait3A_171 : memref<632x64xf32, #tpu.memory_space<hbm>>)
      tpu.yield
    }) : () -> ()
    return
  }
}

module attributes {stable_mosaic.version = 14 : i64} {
  func.func @_mm_body(%arg0: memref<10008x128xf32, #tpu.memory_space<vmem>>, %arg1: memref<128x128xf32, #tpu.memory_space<vmem>>, %arg2: memref<10008x128xf32, #tpu.memory_space<vmem>>) attributes {dimension_semantics = [], scalar_prefetch = 0 : i64, scratch_operands = 0 : i64, tpu.core_type = #tpu.core_type<tc>} {
    %get3A = arith.constant 0 : index
    %get3A_0 = arith.constant 0 : index
    %get3A_1 = vector.load %arg0[%get3A, %get3A_0] : memref<10008x128xf32, #tpu.memory_space<vmem>>, vector<10008x128xf32>
    %get3A_2 = arith.constant 0 : index
    %get3A_3 = arith.constant 0 : index
    %get3A_4 = vector.load %arg1[%get3A_2, %get3A_3] : memref<128x128xf32, #tpu.memory_space<vmem>>, vector<128x128xf32>
    %dot_general3A = arith.constant dense<0.000000e+00> : vector<10008x128xf32>
    %dot_general3A_5 = tpu.matmul %get3A_1, %get3A_4, %dot_general3A {dimension_numbers = #tpu.dot_dimension_numbers<[1], [0], [0], [1], [0, 0, 1, 1], [], []>, transpose_lhs_hint = false} : vector<10008x128xf32>, vector<128x128xf32>, vector<10008x128xf32> -> vector<10008x128xf32>
    %swap3A = arith.constant 0 : index
    %swap3A_6 = arith.constant 0 : index
    %swap3A_7 = vector.load %arg2[%swap3A, %swap3A_6] : memref<10008x128xf32, #tpu.memory_space<vmem>>, vector<10008x128xf32>
    tpu.vector_store %arg2[%swap3A, %swap3A_6], %dot_general3A_5 {strides = array<i32>} : memref<10008x128xf32, #tpu.memory_space<vmem>>, vector<10008x128xf32>,
    return
  }
}

module attributes {stable_mosaic.version = 14 : i64} {
  func.func @_relu_mm_body(%arg0: memref<2x10112x128xf32, #tpu.memory_space<vmem>>, %arg1: memref<128x64xf32, #tpu.memory_space<vmem>>, %arg2: memref<10112x64xf32, #tpu.memory_space<vmem>>) attributes {dimension_semantics = [], scalar_prefetch = 0 : i64, scratch_operands = 0 : i64, tpu.core_type = #tpu.core_type<tc>} {
    %get3A = arith.constant 0 : index
    %get3A_0 = arith.constant 0 : index
    %get3A_1 = arith.constant 0 : index
    %get3A_2 = vector.load %arg0[%get3A, %get3A_0, %get3A_1] : memref<2x10112x128xf32, #tpu.memory_space<vmem>>, vector<1x10112x128xf32>
    %get3A_3 = vector.shape_cast %get3A_2 : vector<1x10112x128xf32> to vector<10112x128xf32>
    %get3A_4 = arith.constant 1 : index
    %get3A_5 = arith.constant 0 : index
    %get3A_6 = arith.constant 0 : index
    %get3A_7 = vector.load %arg0[%get3A_4, %get3A_5, %get3A_6] : memref<2x10112x128xf32, #tpu.memory_space<vmem>>, vector<1x10112x128xf32>
    %get3A_8 = vector.shape_cast %get3A_7 : vector<1x10112x128xf32> to vector<10112x128xf32>
    %add3A = arith.addf %get3A_3, %get3A_8 : vector<10112x128xf32>
    %max3A = arith.constant 0.000000e+00 : f32
    %max3A_9 = vector.broadcast %max3A : f32 to vector<10112x128xf32>
    %max3A_10 = arith.maximumf %add3A, %max3A_9 : vector<10112x128xf32>
    %get3A_11 = arith.constant 0 : index
    %get3A_12 = arith.constant 0 : index
    %get3A_13 = vector.load %arg1[%get3A_11, %get3A_12] : memref<128x64xf32, #tpu.memory_space<vmem>>, vector<128x64xf32>
    %dot_general3A = arith.constant dense<0.000000e+00> : vector<10112x64xf32>
    %dot_general3A_14 = tpu.matmul %max3A_10, %get3A_13, %dot_general3A {dimension_numbers = #tpu.dot_dimension_numbers<[1], [0], [0], [1], [0, 0, 1, 1], [], []>, transpose_lhs_hint = false} : vector<10112x128xf32>, vector<128x64xf32>, vector<10112x64xf32> -> vector<10112x64xf32>
    %iota3A = tpu.iota {dimensions = array<i32: 0>} : vector<10112x64xi32>
    %lt3A = arith.constant 10000 : i32
    %lt3A_15 = vector.broadcast %lt3A : i32 to vector<10112x64xi32>
    %lt3A_16 = arith.cmpi slt, %iota3A, %lt3A_15 : vector<10112x64xi32>
    %jit3A = arith.constant 0.000000e+00 : f32
    %broadcast_in_dim3A = vector.broadcast %jit3A : f32 to vector<10112x64xf32>
    %select_n3A = arith.select %lt3A_16, %dot_general3A_14, %broadcast_in_dim3A : vector<10112x64xi1>, vector<10112x64xf32>
    %swap3A = arith.constant 0 : index
    %swap3A_17 = arith.constant 0 : index
    %swap3A_18 = vector.load %arg2[%swap3A, %swap3A_17] : memref<10112x64xf32, #tpu.memory_space<vmem>>, vector<10112x64xf32>
    tpu.vector_store %arg2[%swap3A, %swap3A_17], %select_n3A {strides = array<i32>} : memref<10112x64xf32, #tpu.memory_space<vmem>>, vector<10112x64xf32>,
    return
  }
}

module attributes {stable_mosaic.version = 14 : i64} {
  func.func @_log_softmax_body(%arg0: memref<2x10112x64xf32, #tpu.memory_space<vmem>>, %arg1: memref<10112x64xf32, #tpu.memory_space<vmem>>) attributes {dimension_semantics = [], scalar_prefetch = 0 : i64, scratch_operands = 0 : i64, tpu.core_type = #tpu.core_type<tc>} {
    %get3A = arith.constant 0 : index
    %get3A_0 = arith.constant 0 : index
    %get3A_1 = arith.constant 0 : index
    %get3A_2 = vector.load %arg0[%get3A, %get3A_0, %get3A_1] : memref<2x10112x64xf32, #tpu.memory_space<vmem>>, vector<1x10112x64xf32>
    %get3A_3 = vector.shape_cast %get3A_2 : vector<1x10112x64xf32> to vector<10112x64xf32>
    %get3A_4 = arith.constant 1 : index
    %get3A_5 = arith.constant 0 : index
    %get3A_6 = arith.constant 0 : index
    %get3A_7 = vector.load %arg0[%get3A_4, %get3A_5, %get3A_6] : memref<2x10112x64xf32, #tpu.memory_space<vmem>>, vector<1x10112x64xf32>
    %get3A_8 = vector.shape_cast %get3A_7 : vector<1x10112x64xf32> to vector<10112x64xf32>
    %add3A = arith.addf %get3A_3, %get3A_8 : vector<10112x64xf32>
    %reduce_max3A = arith.constant dense<0xFF800000> : vector<10112xf32>
    %reduce_max3A_9 = vector.multi_reduction <maximumf>, %add3A, %reduce_max3A [1] : vector<10112x64xf32> to vector<10112xf32>
    %broadcast_in_dim3A = vector.shape_cast %reduce_max3A_9 : vector<10112xf32> to vector<10112x1xf32>
    %sub3A = vector.broadcast %broadcast_in_dim3A : vector<10112x1xf32> to vector<10112x64xf32>
    %sub3A_10 = arith.subf %add3A, %sub3A : vector<10112x64xf32>
    %exp3A = math.exp %sub3A_10 : vector<10112x64xf32>
    %sub3A_11 = vector.broadcast %broadcast_in_dim3A : vector<10112x1xf32> to vector<10112x64xf32>
    %sub3A_12 = arith.subf %add3A, %sub3A_11 : vector<10112x64xf32>
    %reduce_sum3A = arith.constant dense<0.000000e+00> : vector<10112xf32>
    %reduce_sum3A_13 = vector.multi_reduction <add>, %exp3A, %reduce_sum3A [1] : vector<10112x64xf32> to vector<10112xf32>
    %broadcast_in_dim3A_14 = vector.shape_cast %reduce_sum3A_13 : vector<10112xf32> to vector<10112x1xf32>
    %log3A = math.log %broadcast_in_dim3A_14 : vector<10112x1xf32>
    %sub3A_15 = vector.broadcast %log3A : vector<10112x1xf32> to vector<10112x64xf32>
    %sub3A_16 = arith.subf %sub3A_12, %sub3A_15 : vector<10112x64xf32>
    %swap3A = arith.constant 0 : index
    %swap3A_17 = arith.constant 0 : index
    %swap3A_18 = vector.load %arg1[%swap3A, %swap3A_17] : memref<10112x64xf32, #tpu.memory_space<vmem>>, vector<10112x64xf32>
    tpu.vector_store %arg1[%swap3A, %swap3A_17], %sub3A_16 {strides = array<i32>} : memref<10112x64xf32, #tpu.memory_space<vmem>>, vector<10112x64xf32>,
    return
  }
}

</mosaic_0001>

<sc_bundles>
// kernel: kernel.10.cloned.1.call-start
scs
__scs_entry_jumppad:
0x0: {  	(pc) =	sbr.rel $0x88, $3  }
0x1: {  	(tag) =	ssettag $0x0;
	lr =	simm.s32 $0x1  }
0x2: {  	[smem:$0x3F9D] =	sst lr;
	_ =	strace $0xD0000000  }
0x3: {  	_ = 	snop  }
0x4: {  	_ = 	snop  }
0x5: {  	_ = 	snop  }
0x6: {  	_ = 	snop  }
0x7: {  	_ = 	snop  }
__scs_overlays_trampoline_lowered:
0x8: {  	[smem:$0x3FAC] =	sst s0  }
0x9: {  	[smem:$0x3FAD] =	sst s1  }
0xa: {  	[smem:$0x3FAE] =	sst s2  }
0xb: {  	[smem:$0x3FAF] =	sst s3  }
0xc: {  	[smem:$0x3FB0] =	sst s4  }
0xd: {  	[smem:$0x3FB1] =	sst s5  }
0xe: {  	[smem:$0x3FB2] =	sst s6  }
0xf: {  	[smem:$0x3FB3] =	sst s7  }
0x10: {  	[smem:$0x3FB4] =	sst s8  }
0x11: {  	[smem:$0x3FB5] =	sst s9;
	s0 =	simm.s32 @!p0 $0x0  }
0x12: {  	s1 =	sld [smem:$0x3F9B];
	s0 =	simm.s32 @p0 $0x1  }
0x13: {  	[smem:$0x3FB6] =	sst s0;
	s0 =	simm.s32 @!p1 $0x0  }
0x14: {  	s2 =	sld [smem:$0x3F9A];
	s0 =	simm.s32 @p1 $0x1  }
0x15: {  	[smem:$0x3FB7] =	sst s0;
	s0 =	simm.s32 @!p2 $0x0  }
0x16: {  	s3 =	sld [smem:$0x3FDB];
	s0 =	simm.s32 @p2 $0x1  }
0x17: {  	s4 =	simm.s32 $0x1BF5;
	[smem:$0x3FB9] =	sst s0  }
0x18: {  	s0 =	sld [smem:$0x3F9C];
	_ =	swait.ge [sflag:s4], $0x0  }
0x19: {  	s7 =	sld [smem:$0x3F9D]  }
0x1a: {  	s8 =	sadd.s32 $0xFFFFE003, lr  }
0x1b: {  	s9 =	sadd.s32 $0xFFFFFEF7, lr;
	s5 =	simm.s32 $0xFFFFFFFF;
	p2 =	slt.u32 s8, $0xFFFFF086  }
0x1c: {  	p1 =	slt.u32 s9, $0xF7A;
	s5 =	simm.s32 @!p2 $0x0  }
0x1d: {  	s5 =	simm.s32 @p1 $0x1;
	p0 =	seq.s32 s7, s2  }
0x1e: {  	s7 =	smul.u32 @!p0 $0xF7A, s2;
	p2 =	seq.s32 @!p0 s5, $0x0  }
0x1f: {  	s9 =	smul.u32 $0xF7A, s1;
	s8 =	simm.s32 @!p0 $0x1BF5;
	p2 =	por !p2, p0  }
0x20: {  	[sflag:s8] =	ssyncset.s32 @!p0 $0xFFFFF086;
	s6 =	sadd.s32 @!p0 s3, s7;
	s7 =	simm.s32 @!p0 $0x108  }
0x21: {  	s3 =	sadd.s32 s3, s9;
	s6 =	sadd.s32 @!p0 $0x88, s6;
	s7 =	simm.s32 @p2 $0x1082  }
0x22: {  	[simem:s7], [sflag:s8] =	dma.local @!p0 [hbm:s6], $0xF7A  }
0x23: {  	s9 =	sor.u32 $0xD0000000, s2;
	s6 =	simm.s32 $0x108;
	_ =	swait.ge @!p0 [sflag:s8], $0x0  }
0x24: {  	s3 =	sadd.s32 $0x88, s3;
	s6 =	simm.s32 @!p1 $0x1082;
	[sflag:s4] =	ssyncset.s32 $0xFFFFF086  }
0x25: {  	[simem:s6], [sflag:s4] =	dma.local [hbm:s3], $0xF7A  }
0x26: {  	[smem:$0x3F9D] =	sst s1;
	(tag) =	ssettag s2;
	_ =	strace s9  }
0x27: {  	s1 =	sld [smem:$0x3FAD]  }
0x28: {  	s2 =	sld [smem:$0x3FAE]  }
0x29: {  	s4 =	sld [smem:$0x3FB0]  }
0x2a: {  	p0 =	seq.s32 s5, $0x0;
	s5 =	sld [smem:$0x3FB1]  }
0x2b: {  	s6 =	sld [smem:$0x3FB2]  }
0x2c: {  	s7 =	sld [smem:$0x3FB3]  }
0x2d: {  	s3 =	simm.s32 $0x108;
	s8 =	sld [smem:$0x3FB4]  }
0x2e: {  	s3 =	simm.s32 @!p0 $0x1082;
	s9 =	sld [smem:$0x3FB5]  }
0x2f: {  	lr =	sadd.s32 s0, s3;
	s0 =	sld [smem:$0x3FAC]  }
0x30: {  	s3 =	sld [smem:$0x3FAF]  }
0x31: {  	[smem:$0x3FB8] =	sst s10  }
0x32: {  	s10 =	sld [smem:$0x3FB6];
	_ =	sdelay $0x3  }
0x33: {  	p0 =	seq.s32 s10, $0x1;
	s10 =	sld [smem:$0x3FB8];
	_ =	sdelay $0x3  }
0x34: {  	[smem:$0x3FB8] =	sst s10  }
0x35: {  	s10 =	sld [smem:$0x3FB7];
	_ =	sdelay $0x3  }
0x36: {  	p1 =	seq.s32 s10, $0x1;
	s10 =	sld [smem:$0x3FB8];
	_ =	sdelay $0x3  }
0x37: {  	[smem:$0x3FB8] =	sst s10  }
0x38: {  	s10 =	sld [smem:$0x3FB9]  }
0x39: {  	_ = 	snop;
	(pc) =	sbr.ind lr, $3  }
0x3a: {  	_ = 	snop  }
0x3b: {  	_ = 	snop  }
0x3c: {  	p2 =	seq.s32 s10, $0x1;
	s10 =	sld [smem:$0x3FB8]  }
0x3d: {  	_ =	shalt  }
0x3e: {  	_ =	shalt  }
0x3f: {  	_ =	shalt  }
0x40: {  	_ =	shalt  }
0x41: {  	_ =	shalt  }
0x42: {  	_ =	shalt  }
0x43: {  	_ =	shalt  }
0x44: {  	_ =	shalt  }
0x45: {  	_ =	shalt  }
0x46: {  	_ =	shalt  }
0x47: {  	_ =	shalt  }
0x48: {  	_ =	shalt  }
0x49: {  	_ =	shalt  }
0x4a: {  	_ =	shalt  }
0x4b: {  	_ =	shalt  }
0x4c: {  	_ =	shalt  }
0x4d: {  	_ =	shalt  }
0x4e: {  	_ =	shalt  }
0x4f: {  	_ =	shalt  }
0x50: {  	_ =	shalt  }
0x51: {  	_ =	shalt  }
0x52: {  	_ =	shalt  }
0x53: {  	_ =	shalt  }
0x54: {  	_ =	shalt  }
0x55: {  	_ =	shalt  }
0x56: {  	_ =	shalt  }
0x57: {  	_ =	shalt  }
0x58: {  	_ =	shalt  }
0x59: {  	_ =	shalt  }
0x5a: {  	_ =	shalt  }
0x5b: {  	_ =	shalt  }
0x5c: {  	_ =	shalt  }
0x5d: {  	_ =	shalt  }
0x5e: {  	_ =	shalt  }
0x5f: {  	_ =	shalt  }
0x60: {  	_ =	shalt  }
0x61: {  	_ =	shalt  }
0x62: {  	_ =	shalt  }
0x63: {  	_ =	shalt  }
0x64: {  	_ =	shalt  }
0x65: {  	_ =	shalt  }
0x66: {  	_ =	shalt  }
0x67: {  	_ =	shalt  }
0x68: {  	_ =	shalt  }
0x69: {  	_ =	shalt  }
0x6a: {  	_ =	shalt  }
0x6b: {  	_ =	shalt  }
0x6c: {  	_ =	shalt  }
0x6d: {  	_ =	shalt  }
0x6e: {  	_ =	shalt  }
0x6f: {  	_ =	shalt  }
0x70: {  	_ =	shalt  }
0x71: {  	_ =	shalt  }
0x72: {  	_ =	shalt  }
0x73: {  	_ =	shalt  }
0x74: {  	_ =	shalt  }
0x75: {  	_ =	shalt  }
0x76: {  	_ =	shalt  }
0x77: {  	_ =	shalt  }
0x78: {  	_ =	shalt  }
0x79: {  	_ =	shalt  }
0x7a: {  	_ =	shalt  }
0x7b: {  	_ =	shalt  }
0x7c: {  	_ =	shalt  }
0x7d: {  	_ =	shalt  }
0x7e: {  	_ =	shalt  }
0x7f: {  	_ =	shalt  }
0x80: {  	_ =	shalt  }
0x81: {  	_ =	shalt  }
0x82: {  	_ =	shalt  }
0x83: {  	_ =	shalt  }
0x84: {  	_ =	shalt  }
0x85: {  	_ =	shalt  }
0x86: {  	_ =	shalt  }
0x87: {  	_ =	shalt  }
.Lfunc_end0:
.L_simem_size_0:
called_computation.1_lowered:
.L_overlay_start_0:
0x88: {  	s2 =	sld [smem:$0x3FD9]  }
0x89: {  	s3 =	sld [smem:$0x3FFE];
	_ =	sdelay $0x1  }
0x8a: {  	s1 =	srdreg.scid  }
0x8b: {  	s0 =	sand.u32 $0x1, s1  }
0x8c: {  	s17 =	sshll.u32 s0, $0xA;
	s2 =	sadd.s32 s3, s2  }
0x8d: {  	s2 =	sadd.s32 s2, s17  }
0x8e: {  	[smem:$0x3FC4] =	sst s2  }
0x8f: {  	_ = 	snop  }
0x90: {  	s2 =	sld [smem:$0x3FD0];
	(tm) =	ssettm $0x1  }
0x91: {  	s18 =	sld [smem:$0x3FFB];
	_ =	sdelay $0x3  }
0x92: {  	_ =	strace s18  }
0x93: {  	s3 =	sld [smem:$0x3FFC];
	_ =	sdelay $0x3  }
0x94: {  	_ =	strace s3  }
0x95: {  	s3 =	sld [smem:$0x3FFD];
	_ =	sdelay $0x3  }
0x96: {  	_ =	strace s3  }
0x97: {  	_ =	strace $0x8FFFFFFF  }
0x98: {  	s19 =	sld [smem:$0x3FDB];
	_ =	sdelay $0x1  }
0x99: {  	s4 =	simm.s32 $_scs_section_size  }
0x9a: {  	s5 =	simm.s32 $_size__tile_overlayer_lowered;
	s6 =	simm.s32 $_tile_overlayer_lowered  }
0x9b: {  	s22 =	simm.s32 $0x1BFF;
	s21 =	sshll.u32 s6, $0x1;
	s3 =	sadd.s32 s4, s19  }
0x9c: {  	s7 =	simm.s32 $0x0;
	s20 =	sshll.u32 s5, $0x1;
	s5 =	sadd.s32 s21, s3  }
0x9d: {  	[timem:s7], [sflag:s22] =	dma.local [hbm:s5], s20  }
0x9e: {  	_ =	swait.ge [sflag:s22], s20  }
0x9f: {  	s4 =	ssub.s32 $0x0, s20;
	[sflag:s22] =	ssyncset.done $0x0  }
0xa0: {  	[sflag:s22] =	ssyncadd.s32 s4;
	_ =	sdelay $0x1  }
0xa1: {  	s23 =	simm.s32 $0x1B8B  }
0xa2: {  	_ =	swait.ge [sflag:s23], $0x1  }
0xa3: {  	[sflag:s23] =	ssyncset.done $0x0  }
0xa4: {  	s25 =	simm.s32 $0x1B8E;
	s24 =	sld [smem:$0x3FFE];
	[sflag:s23] =	ssyncadd.s32 $0xFFFFFFFF  }
0xa5: {  	s26 =	simm.s32 $execute0_lowered;
	[smem:$0x3FD2] =	sst s25  }
0xa6: {  	s5 =	sshll.u32 s26, $0x1;
	_ =	strace $0x80000049;
	[dreg:$0x1] =	wrdreg $0xFFFFFFFF  }
0xa7: {  	s28 =	simm.s32 $_size_execute0_lowered;
	s3 =	sadd.s32 s3, s5;
	[dreg:$0x0] =	wrdreg $0x0  }
0xa8: {  	s5 =	sshll.u32 s28, $0x1;
	[dreg:$0x2] =	wrdreg s3  }
0xa9: {  	[dreg:$0x3] =	wrdreg s5  }
0xaa: {  	[dreg:$0x4] =	wrdreg $0xC0  }
0xab: {  	_ =	task [dreg:s7], $0x5FFFF  }
0xac: {  	[dreg:$0x1] =	wrdreg $0xFFFFFFFF  }
0xad: {  	[dreg:$0x0] =	wrdreg $0x60  }
0xae: {  	[dreg:$0x2] =	wrdreg s2  }
0xaf: {  	[dreg:$0x3] =	wrdreg s24  }
0xb0: {  	[dreg:$0x4] =	wrdreg $0xEC000  }
0xb1: {  	[dreg:$0x5] =	wrdreg $0x9  }
0xb2: {  	_ =	task.clear_ibuf [dreg:s7], $0x6FFFF;
	_ =	strace $0x90000049  }
0xb3: {  	s29 =	simm.s32 $0x9;
	_ =	strace $0x8000004B  }
0xb4: {  	_ =	swait.ge [sflag:s29], $0x1  }
0xb5: {  	[sflag:s29] =	ssyncadd.s32 $0xFFFFFFFF  }
0xb6: {  	_ =	strace $0x9000004B  }
0xb7: {  	_ =	sfence  }
0xb8: {  	s30 =	sld [smem:$0x0];
	_ =	sdelay $0x2  }
0xb9: {  	s31 =	sshll.u32 s1, $0xD;
	s1 =	sshrl.u32 s1, $0x2  }
0xba: {  	s3 =	sand.u32 $0x4000, s31;
	s1 =	sadd.s32 s1, s30  }
0xbb: {  	s0 =	sor.u32 s3, s0;
	s1 =	sshll.u32 s1, $0x11  }
0xbc: {  	s0 =	sor.u32 s1, s0  }
0xbd: {  	s0 =	sadd.s32 $0x8F2B, s0  }
0xbe: {  	[sflag:s0] =	ssyncadd.remote.s32 $0x1  }
0xbf: {  	_ =	sfence.sel $0xFFFF  }
0xc0: {  	[dreg:$0x0] =	wrdreg $0xFFFFFFFF;
	(pc) =	sbr.abs _section_cstart, $3  }
0xc1: {  	[dreg:$0x1] =	wrdreg $0xFFFFFFFF  }
0xc2: {  	_ =	task.clear_ibuf [dreg:s7], $0x2FFFF;
	_ =	strace $0x9FFFFFFF  }
0xc3: {  	(tm) =	ssettm $0x7FFFFFFF  }
tec
execute0_lowered:
.L_overlay_start_1:
0x0: {  	(tag) =	ssettag $0x1  }
0x1: {  	s1 =	rddreg [dreg:$0x0];
	s0 =	srdreg.scid  }
0x2: {  	s10 =	stileid.u32;
	s2 =	rddreg [dreg:$0x1]  }
0x3: {  	s3 =	rddreg [dreg:$0x2];
	s4 =	simm.s32 $0x0;
	s17 =	simm.s32 $0x5  }
0x4: {  	s19 =	simm.s32 $0x80;
	s20 =	simm.s32 $0x6C00;
	s21 =	simm.s32 $0x8C00  }
0x5: {  	s22 =	simm.s32 $0x100;
	s28 =	simm.s32 $0x2;
	s29 =	simm.s32 $0x3  }
0x6: {  	s30 =	simm.s32 $0x4;
	s31 =	simm.s32 $0x0;
	s0 =	sand.u32 $0x1, s0  }
0x7: {  	s5 =	smul.u32 $0x9E00, s10;
	[smem:$0x7FF] =	sst s4;
	s25 =	sshll.u32 s10, $0x6  }
0x8: {  	s6 =	sshll.u32 s0, $0x4;
	s7 =	smul.u32 $0x9E000, s0;
	_ =	strace $0x8000004A  }
0x9: {  	s8 =	ssub.s32 $0x2, s0;
	p0 =	seq.s32 s0, $0x0;
	s6 =	sor.u32 s10, s6  }
0xa: {  	s23 =	sshrl.u32 s8, $0x1;
	s16 =	sadd.s32 s5, s3;
	s24 =	sshrl.u32 s5, $0x3  }
0xb: {  	s6 =	smul.u32 $0x6C0, s6;
	s7 =	sadd.s32 s5, s7;
	s15 =	ssub.s32 s8, s23  }
0xc: {  	s5 =	simm.s32 $0x6000;
	s16 =	sshrl.u32 s16, $0x3;
	s23 =	simm.s32 $0xAC00  }
0xd: {  	s7 =	sshrl.u32 s7, $0x3;
	s5 =	simm.s32 @!p0 $0xD000;
	s15 =	smax.u32 s15, $0x1  }
0xe: {  	s9 =	sadd.s32 s6, s2;
	s14 =	sadd.s32 s7, s2;
	s6 =	sadd.s32 s2, s24  }
0xf: {  	s7 =	sor.u32 $0x1C05, s25;
	s26 =	sshrl.u32 s5, $0x2;
	s24 =	simm.s32 $0x180  }
0x10: {  	s25 =	simm.s32 $0xCC00;
	s8 =	sadd.s32 $0xB9200, s9;
	s9 =	sadd.s32 $0xABA00, s9  }
0x11: {  	s10 =	sadd.s32 $0x3600, s26;
	s11 =	sadd.s32 $0x3680, s26;
	s12 =	sadd.s32 $0x3700, s26  }
0x12: {  	s13 =	sadd.s32 $0x3780, s26;
	s14 =	sadd.s32 $0x13C00, s14;
	s26 =	simm.s32 $0x1  }
.LBB2_1:
0x13: {  	[spmem:s16], [sflag:s7] =	dma.local [hbm:s6], $0x13C0  }
0x14: {  	_ =	swait.ge [sflag:s17], $0x13C0  }
0x15: {  	[sflag:s17] =	ssyncset.done $0x0  }
0x16: {  	[sflag:s17] =	ssyncadd.s32 $0xFFFFEC40  }
0x17: {  	[tilespmem:s4], [sflag:$0x5] =	stream.linear.gather [hbm4b:s8+s4], $0x3600, $0x38;
	[tilespmem:$0x18A00] =	vst v63  }
0x18: {  	_ =	swait.ge [sflag:s17], $0x3600  }
0x19: {  	[sflag:s17] =	ssyncset.done $0x0  }
0x1a: {  	s0 =	simm.s32 $0x3600;
	[sflag:s17] =	ssyncadd.s32 $0xFFFFCA00  }
0x1b: {  	[tilespmem:s0], [sflag:$0x5] =	stream.linear.gather [hbm4b:s9+s4], $0x3600, $0x38;
	[tilespmem:$0x18A00] =	vst v63  }
0x1c: {  	_ =	swait.ge [sflag:s17], $0x3600  }
0x1d: {  	[sflag:s17] =	ssyncset.done $0x0  }
0x1e: {  	[sflag:s17] =	ssyncadd.s32 $0xFFFFCA00  }
0x1f: {  	[bflag:$0x0] =	sbarrier.arrive $0xFFFF  }
0x20: {  	[tilespmem:s20], [sflag:$0x1] =	stream.indirect.gather [hbm4b:s1+s19], $0x40, s4, s19, $0xb8;
	[tilespmem:$0x18A00] =	vst v63  }
0x21: {  	_ = 	snop  }
0x22: {  	[tilespmem:s21], [sflag:$0x2] =	stream.indirect.gather [hbm4b:s1+s19], $0x40, s19, s19, $0xb8;
	[tilespmem:$0x18A00] =	vst v63  }
0x23: {  	_ = 	snop  }
0x24: {  	[tilespmem:s23], [sflag:$0x3] =	stream.indirect.gather [hbm4b:s1+s19], $0x40, s22, s19, $0xb8;
	[tilespmem:$0x18A00] =	vst v63  }
0x25: {  	_ = 	snop  }
0x26: {  	[tilespmem:s25], [sflag:$0x4] =	stream.indirect.gather [hbm4b:s1+s19], $0x40, s24, s19, $0xb8;
	[tilespmem:$0x18A00] =	vst v63  }
0x27: {  	_ =	swait.ge [sflag:s26], $0x2000  }
0x28: {  	[sflag:s26] =	ssyncset.done $0x0  }
0x29: {  	s18 =	simm.s32 $0x3600;
	[sflag:s26] =	ssyncadd.s32 $0xFFFFE000  }
0x2a: {  	[spmem:s3] =	stream.indirect.scatter.add.f32 [tilespmem:s20], [sflag:$0x5], $0x40, s18, s19, $0xb8;
	[tilespmem:$0x18A00] =	vst v63  }
0x2b: {  	_ =	swait.ge [sflag:s17], $0x2000  }
0x2c: {  	[sflag:s17] =	ssyncset.done $0x0  }
0x2d: {  	s2 =	simm.s32 $0x200;
	[sflag:s17] =	ssyncadd.s32 $0xFFFFE000  }
0x2e: {  	[tilespmem:s20], [sflag:$0x1] =	stream.indirect.gather [hbm4b:s1+s19], $0x40, s2, s19, $0xb8;
	[tilespmem:$0x18A00] =	vst v63  }
0x2f: {  	_ =	swait.ge [sflag:s28], $0x2000  }
0x30: {  	[sflag:s28] =	ssyncset.done $0x0  }
0x31: {  	s18 =	simm.s32 $0x3680;
	[sflag:s28] =	ssyncadd.s32 $0xFFFFE000  }
0x32: {  	[spmem:s3] =	stream.indirect.scatter.add.f32 [tilespmem:s21], [sflag:$0x5], $0x40, s18, s19, $0xb8;
	[tilespmem:$0x18A00] =	vst v63  }
0x33: {  	_ =	swait.ge [sflag:s17], $0x2000  }
0x34: {  	[sflag:s17] =	ssyncset.done $0x0  }
0x35: {  	s2 =	simm.s32 $0x280;
	[sflag:s17] =	ssyncadd.s32 $0xFFFFE000  }
0x36: {  	[tilespmem:s21], [sflag:$0x2] =	stream.indirect.gather [hbm4b:s1+s19], $0x40, s2, s19, $0xb8;
	[tilespmem:$0x18A00] =	vst v63  }
0x37: {  	_ =	swait.ge [sflag:s29], $0x2000  }
0x38: {  	[sflag:s29] =	ssyncset.done $0x0  }
0x39: {  	s18 =	simm.s32 $0x3700;
	[sflag:s29] =	ssyncadd.s32 $0xFFFFE000  }
0x3a: {  	[spmem:s3] =	stream.indirect.scatter.add.f32 [tilespmem:s23], [sflag:$0x5], $0x40, s18, s19, $0xb8;
	[tilespmem:$0x18A00] =	vst v63  }
0x3b: {  	_ =	swait.ge [sflag:s17], $0x2000  }
0x3c: {  	[sflag:s17] =	ssyncset.done $0x0  }
0x3d: {  	s2 =	simm.s32 $0x300;
	[sflag:s17] =	ssyncadd.s32 $0xFFFFE000  }
0x3e: {  	[tilespmem:s23], [sflag:$0x3] =	stream.indirect.gather [hbm4b:s1+s19], $0x40, s2, s19, $0xb8;
	[tilespmem:$0x18A00] =	vst v63  }
0x3f: {  	_ =	swait.ge [sflag:s30], $0x2000  }
0x40: {  	p0 =	sne.s32 s5, $0x800;
	[sflag:s30] =	ssyncset.done $0x0  }
.Ltmp0:
0x41: {  	s18 =	simm.s32 $0x3780;
	[sflag:s30] =	ssyncadd.s32 $0xFFFFE000;
	(pc) =	sbr.rel @!p0 .LBB2_3-.Ltmp0, $4  }
0x42: {  	[spmem:s3] =	stream.indirect.scatter.add.f32 [tilespmem:s25], [sflag:$0x5], $0x40, s18, s19, $0xb8;
	[tilespmem:$0x18A00] =	vst v63  }
0x43: {  	_ =	swait.ge [sflag:s17], $0x2000  }
0x44: {  	[sflag:s17] =	ssyncset.done $0x0  }
0x45: {  	s0 =	simm.s32 $0x380;
	s2 =	simm.s32 $0x800;
	[sflag:s17] =	ssyncadd.s32 $0xFFFFE000  }
.LBB2_2:
0x46: {  	[tilespmem:s25], [sflag:$0x4] =	stream.indirect.gather [hbm4b:s1+s19], $0x40, s0, s19, $0xb8;
	[tilespmem:$0x18A00] =	vst v63  }
0x47: {  	s0 =	smov.u32 s2;
	s2 =	sadd.s32 $0x800, s2;
	_ =	swait.ge [sflag:s26], $0x2000  }
0x48: {  	s0 =	sshra.s32 s0, $0x2;
	p0 =	sne.s32 s5, s2;
	[sflag:s26] =	ssyncset.done $0x0  }
0x49: {  	s18 =	sadd.s32 $0x3600, s0;
	[sflag:s26] =	ssyncadd.s32 $0xFFFFE000  }
0x4a: {  	[spmem:s3] =	stream.indirect.scatter.add.f32 [tilespmem:s20], [sflag:$0x5], $0x40, s18, s19, $0xb8;
	[tilespmem:$0x18A00] =	vst v63  }
0x4b: {  	_ =	swait.ge [sflag:s17], $0x2000  }
0x4c: {  	[sflag:s17] =	ssyncset.done $0x0  }
0x4d: {  	s18 =	sadd.s32 $0x200, s0;
	[sflag:s17] =	ssyncadd.s32 $0xFFFFE000  }
0x4e: {  	[tilespmem:s20], [sflag:$0x1] =	stream.indirect.gather [hbm4b:s1+s19], $0x40, s18, s19, $0xb8;
	[tilespmem:$0x18A00] =	vst v63  }
0x4f: {  	_ =	swait.ge [sflag:s28], $0x2000  }
0x50: {  	[sflag:s28] =	ssyncset.done $0x0  }
0x51: {  	s18 =	sadd.s32 $0x3680, s0;
	[sflag:s28] =	ssyncadd.s32 $0xFFFFE000  }
0x52: {  	[spmem:s3] =	stream.indirect.scatter.add.f32 [tilespmem:s21], [sflag:$0x5], $0x40, s18, s19, $0xb8;
	[tilespmem:$0x18A00] =	vst v63  }
0x53: {  	_ =	swait.ge [sflag:s17], $0x2000  }
0x54: {  	[sflag:s17] =	ssyncset.done $0x0  }
0x55: {  	s18 =	sadd.s32 $0x280, s0;
	[sflag:s17] =	ssyncadd.s32 $0xFFFFE000  }
0x56: {  	[tilespmem:s21], [sflag:$0x2] =	stream.indirect.gather [hbm4b:s1+s19], $0x40, s18, s19, $0xb8;
	[tilespmem:$0x18A00] =	vst v63  }
0x57: {  	_ =	swait.ge [sflag:s29], $0x2000  }
0x58: {  	[sflag:s29] =	ssyncset.done $0x0  }
0x59: {  	s18 =	sadd.s32 $0x3700, s0;
	[sflag:s29] =	ssyncadd.s32 $0xFFFFE000  }
0x5a: {  	[spmem:s3] =	stream.indirect.scatter.add.f32 [tilespmem:s23], [sflag:$0x5], $0x40, s18, s19, $0xb8;
	[tilespmem:$0x18A00] =	vst v63  }
0x5b: {  	_ =	swait.ge [sflag:s17], $0x2000  }
0x5c: {  	[sflag:s17] =	ssyncset.done $0x0  }
0x5d: {  	s18 =	sadd.s32 $0x300, s0;
	[sflag:s17] =	ssyncadd.s32 $0xFFFFE000  }
0x5e: {  	[tilespmem:s23], [sflag:$0x3] =	stream.indirect.gather [hbm4b:s1+s19], $0x40, s18, s19, $0xb8;
	[tilespmem:$0x18A00] =	vst v63  }
0x5f: {  	_ =	swait.ge [sflag:s30], $0x2000  }
0x60: {  	[sflag:s30] =	ssyncset.done $0x0  }
.Ltmp1:
0x61: {  	s18 =	sadd.s32 $0x3780, s0;
	[sflag:s30] =	ssyncadd.s32 $0xFFFFE000;
	(pc) =	sbr.rel @p0 .LBB2_2-.Ltmp1, $4  }
0x62: {  	[spmem:s3] =	stream.indirect.scatter.add.f32 [tilespmem:s25], [sflag:$0x5], $0x40, s18, s19, $0xb8;
	[tilespmem:$0x18A00] =	vst v63  }
0x63: {  	_ =	swait.ge [sflag:s17], $0x2000  }
0x64: {  	[sflag:s17] =	ssyncset.done $0x0  }
0x65: {  	s0 =	sadd.s32 $0x380, s0;
	[sflag:s17] =	ssyncadd.s32 $0xFFFFE000  }
.LBB2_3:
0x66: {  	[tilespmem:s25], [sflag:$0x4] =	stream.indirect.gather [hbm4b:s1+s19], $0x40, s0, s19, $0xb8;
	[tilespmem:$0x18A00] =	vst v63  }
0x67: {  	_ =	swait.ge [sflag:s26], $0x2000  }
0x68: {  	[sflag:s26] =	ssyncset.done $0x0  }
0x69: {  	[sflag:s26] =	ssyncadd.s32 $0xFFFFE000  }
0x6a: {  	[spmem:s3] =	stream.indirect.scatter.add.f32 [tilespmem:s20], [sflag:$0x5], $0x40, s10, s19, $0xb8;
	[tilespmem:$0x18A00] =	vst v63  }
0x6b: {  	_ =	swait.ge [sflag:s17], $0x2000  }
0x6c: {  	[sflag:s17] =	ssyncset.done $0x0  }
0x6d: {  	[sflag:s17] =	ssyncadd.s32 $0xFFFFE000  }
0x6e: {  	_ =	swait.ge [sflag:s28], $0x2000  }
0x6f: {  	[sflag:s28] =	ssyncset.done $0x0  }
0x70: {  	[sflag:s28] =	ssyncadd.s32 $0xFFFFE000  }
0x71: {  	[spmem:s3] =	stream.indirect.scatter.add.f32 [tilespmem:s21], [sflag:$0x5], $0x40, s11, s19, $0xb8;
	[tilespmem:$0x18A00] =	vst v63  }
0x72: {  	_ =	swait.ge [sflag:s17], $0x2000  }
0x73: {  	[sflag:s17] =	ssyncset.done $0x0  }
0x74: {  	[sflag:s17] =	ssyncadd.s32 $0xFFFFE000  }
0x75: {  	_ =	swait.ge [sflag:s29], $0x2000  }
0x76: {  	[sflag:s29] =	ssyncset.done $0x0  }
0x77: {  	[sflag:s29] =	ssyncadd.s32 $0xFFFFE000  }
0x78: {  	[spmem:s3] =	stream.indirect.scatter.add.f32 [tilespmem:s23], [sflag:$0x5], $0x40, s12, s19, $0xb8;
	[tilespmem:$0x18A00] =	vst v63  }
0x79: {  	_ =	swait.ge [sflag:s17], $0x2000  }
0x7a: {  	[sflag:s17] =	ssyncset.done $0x0  }
0x7b: {  	[sflag:s17] =	ssyncadd.s32 $0xFFFFE000  }
0x7c: {  	_ =	swait.ge [sflag:s30], $0x2000  }
0x7d: {  	[sflag:s30] =	ssyncset.done $0x0  }
0x7e: {  	[sflag:s30] =	ssyncadd.s32 $0xFFFFE000  }
0x7f: {  	[spmem:s3] =	stream.indirect.scatter.add.f32 [tilespmem:s25], [sflag:$0x5], $0x40, s13, s19, $0xb8;
	[tilespmem:$0x18A00] =	vst v63  }
0x80: {  	_ =	swait.ge [sflag:s17], $0x2000  }
0x81: {  	s31 =	sadd.s32 $0x1, s31;
	[sflag:s17] =	ssyncset.done $0x0  }
0x82: {  	p0 =	sne.s32 s31, s15;
	[sflag:s17] =	ssyncadd.s32 $0xFFFFE000  }
.Ltmp2:
0x83: {  	[bflag:$0x0] =	sbarrier.arrive $0xFFFF;
	(pc) =	sbr.rel @p0 .LBB2_1-.Ltmp2, $4  }
0x84: {  	[hbm:s14], [sflag:s7] =	dma.local [spmem:s16], $0x13C0  }
0x85: {  	_ =	swait.ge [sflag:s17], $0x13C0  }
0x86: {  	[sflag:s17] =	ssyncset.done $0x0  }
0x87: {  	[sflag:s17] =	ssyncadd.s32 $0xFFFFEC40  }
0x88: {  	_ =	sfence.sel $0x180000  }
0x89: {  	[bflag:$0x0] =	sbarrier.arrive $0xFFFF  }
0x8a: {  	_ =	strace $0x9000004A  }
0x8b: {  	s0 =	stileid.u32;
	[bflag:$0x2] =	sbarrier.arrive $0xFFFF  }
0x8c: {  	p0 =	sne.s32 s0, $0x0;
	s0 =	rddreg [dreg:$0x3]  }
0x8d: {  	s0 =	sadd.s32 @!p0 $0x100000, s0  }
0x8e: {  	[sflag:s0] =	ssyncadd.tile.s32 @!p0 $0x1;
	_ =	shalt  }
.Lfunc_end2:
_tile_overlayer_lowered:
.L_overlay_start_2:
0x8f: {  	(tag) =	ssettag $0x2  }
0x90: {  	s0 =	rddreg [dreg:$0x0];
	s2 =	stileid.u32  }
0x91: {  	s1 =	rddreg [dreg:$0x1];
	p0 =	sne.s32 s2, $0x0  }
0x92: {  	s3 =	rddreg [dreg:$0x2];
	[bflag:$0x3] =	sbarrier.arrive $0xFFFF;
	s2 =	simm.s32 @!p0 $0x1C05  }
0x93: {  	[timem:s3], [sflag:s2] =	dma.local @!p0 [hbm:s0], s1  }
0x94: {  	s0 =	simm.s32 @!p0 $0x5  }
0x95: {  	_ =	swait.ge @!p0 [sflag:s0], s1  }
0x96: {  	s1 =	ssub.s32 @!p0 $0x0, s1;
	[sflag:s0] =	ssyncset.done @!p0 $0x0  }
0x97: {  	[sflag:s0] =	ssyncadd.s32 @!p0 s1  }
0x98: {  	[bflag:$0x3] =	sbarrier.arrive $0xFFFF  }
0x99: {  	_ =	shalt  }

// kernel: kernel.7.cloned.1.call-start
scs
__scs_entry_jumppad:
0x0: {  	(pc) =	sbr.rel $0x88, $3  }
0x1: {  	(tag) =	ssettag $0x0;
	lr =	simm.s32 $0x1  }
0x2: {  	[smem:$0x3F9D] =	sst lr;
	_ =	strace $0xD0000000  }
0x3: {  	_ = 	snop  }
0x4: {  	_ = 	snop  }
0x5: {  	_ = 	snop  }
0x6: {  	_ = 	snop  }
0x7: {  	_ = 	snop  }
__scs_overlays_trampoline_lowered:
0x8: {  	[smem:$0x3FAC] =	sst s0  }
0x9: {  	[smem:$0x3FAD] =	sst s1  }
0xa: {  	[smem:$0x3FAE] =	sst s2  }
0xb: {  	[smem:$0x3FAF] =	sst s3  }
0xc: {  	[smem:$0x3FB0] =	sst s4  }
0xd: {  	[smem:$0x3FB1] =	sst s5  }
0xe: {  	[smem:$0x3FB2] =	sst s6  }
0xf: {  	[smem:$0x3FB3] =	sst s7  }
0x10: {  	[smem:$0x3FB4] =	sst s8  }
0x11: {  	[smem:$0x3FB5] =	sst s9;
	s0 =	simm.s32 @!p0 $0x0  }
0x12: {  	s1 =	sld [smem:$0x3F9B];
	s0 =	simm.s32 @p0 $0x1  }
0x13: {  	[smem:$0x3FB6] =	sst s0;
	s0 =	simm.s32 @!p1 $0x0  }
0x14: {  	s2 =	sld [smem:$0x3F9A];
	s0 =	simm.s32 @p1 $0x1  }
0x15: {  	[smem:$0x3FB7] =	sst s0;
	s0 =	simm.s32 @!p2 $0x0  }
0x16: {  	s3 =	sld [smem:$0x3FDB];
	s0 =	simm.s32 @p2 $0x1  }
0x17: {  	s4 =	simm.s32 $0x1BF5;
	[smem:$0x3FB9] =	sst s0  }
0x18: {  	s0 =	sld [smem:$0x3F9C];
	_ =	swait.ge [sflag:s4], $0x0  }
0x19: {  	s7 =	sld [smem:$0x3F9D]  }
0x1a: {  	s8 =	sadd.s32 $0xFFFFE003, lr  }
0x1b: {  	s9 =	sadd.s32 $0xFFFFFEF7, lr;
	s5 =	simm.s32 $0xFFFFFFFF;
	p2 =	slt.u32 s8, $0xFFFFF086  }
0x1c: {  	p1 =	slt.u32 s9, $0xF7A;
	s5 =	simm.s32 @!p2 $0x0  }
0x1d: {  	s5 =	simm.s32 @p1 $0x1;
	p0 =	seq.s32 s7, s2  }
0x1e: {  	s7 =	smul.u32 @!p0 $0xF7A, s2;
	p2 =	seq.s32 @!p0 s5, $0x0  }
0x1f: {  	s9 =	smul.u32 $0xF7A, s1;
	s8 =	simm.s32 @!p0 $0x1BF5;
	p2 =	por !p2, p0  }
0x20: {  	[sflag:s8] =	ssyncset.s32 @!p0 $0xFFFFF086;
	s6 =	sadd.s32 @!p0 s3, s7;
	s7 =	simm.s32 @!p0 $0x108  }
0x21: {  	s3 =	sadd.s32 s3, s9;
	s6 =	sadd.s32 @!p0 $0x88, s6;
	s7 =	simm.s32 @p2 $0x1082  }
0x22: {  	[simem:s7], [sflag:s8] =	dma.local @!p0 [hbm:s6], $0xF7A  }
0x23: {  	s9 =	sor.u32 $0xD0000000, s2;
	s6 =	simm.s32 $0x108;
	_ =	swait.ge @!p0 [sflag:s8], $0x0  }
0x24: {  	s3 =	sadd.s32 $0x88, s3;
	s6 =	simm.s32 @!p1 $0x1082;
	[sflag:s4] =	ssyncset.s32 $0xFFFFF086  }
0x25: {  	[simem:s6], [sflag:s4] =	dma.local [hbm:s3], $0xF7A  }
0x26: {  	[smem:$0x3F9D] =	sst s1;
	(tag) =	ssettag s2;
	_ =	strace s9  }
0x27: {  	s1 =	sld [smem:$0x3FAD]  }
0x28: {  	s2 =	sld [smem:$0x3FAE]  }
0x29: {  	s4 =	sld [smem:$0x3FB0]  }
0x2a: {  	p0 =	seq.s32 s5, $0x0;
	s5 =	sld [smem:$0x3FB1]  }
0x2b: {  	s6 =	sld [smem:$0x3FB2]  }
0x2c: {  	s7 =	sld [smem:$0x3FB3]  }
0x2d: {  	s3 =	simm.s32 $0x108;
	s8 =	sld [smem:$0x3FB4]  }
0x2e: {  	s3 =	simm.s32 @!p0 $0x1082;
	s9 =	sld [smem:$0x3FB5]  }
0x2f: {  	lr =	sadd.s32 s0, s3;
	s0 =	sld [smem:$0x3FAC]  }
0x30: {  	s3 =	sld [smem:$0x3FAF]  }
0x31: {  	[smem:$0x3FB8] =	sst s10  }
0x32: {  	s10 =	sld [smem:$0x3FB6];
	_ =	sdelay $0x3  }
0x33: {  	p0 =	seq.s32 s10, $0x1;
	s10 =	sld [smem:$0x3FB8];
	_ =	sdelay $0x3  }
0x34: {  	[smem:$0x3FB8] =	sst s10  }
0x35: {  	s10 =	sld [smem:$0x3FB7];
	_ =	sdelay $0x3  }
0x36: {  	p1 =	seq.s32 s10, $0x1;
	s10 =	sld [smem:$0x3FB8];
	_ =	sdelay $0x3  }
0x37: {  	[smem:$0x3FB8] =	sst s10  }
0x38: {  	s10 =	sld [smem:$0x3FB9]  }
0x39: {  	_ = 	snop;
	(pc) =	sbr.ind lr, $3  }
0x3a: {  	_ = 	snop  }
0x3b: {  	_ = 	snop  }
0x3c: {  	p2 =	seq.s32 s10, $0x1;
	s10 =	sld [smem:$0x3FB8]  }
0x3d: {  	_ =	shalt  }
0x3e: {  	_ =	shalt  }
0x3f: {  	_ =	shalt  }
0x40: {  	_ =	shalt  }
0x41: {  	_ =	shalt  }
0x42: {  	_ =	shalt  }
0x43: {  	_ =	shalt  }
0x44: {  	_ =	shalt  }
0x45: {  	_ =	shalt  }
0x46: {  	_ =	shalt  }
0x47: {  	_ =	shalt  }
0x48: {  	_ =	shalt  }
0x49: {  	_ =	shalt  }
0x4a: {  	_ =	shalt  }
0x4b: {  	_ =	shalt  }
0x4c: {  	_ =	shalt  }
0x4d: {  	_ =	shalt  }
0x4e: {  	_ =	shalt  }
0x4f: {  	_ =	shalt  }
0x50: {  	_ =	shalt  }
0x51: {  	_ =	shalt  }
0x52: {  	_ =	shalt  }
0x53: {  	_ =	shalt  }
0x54: {  	_ =	shalt  }
0x55: {  	_ =	shalt  }
0x56: {  	_ =	shalt  }
0x57: {  	_ =	shalt  }
0x58: {  	_ =	shalt  }
0x59: {  	_ =	shalt  }
0x5a: {  	_ =	shalt  }
0x5b: {  	_ =	shalt  }
0x5c: {  	_ =	shalt  }
0x5d: {  	_ =	shalt  }
0x5e: {  	_ =	shalt  }
0x5f: {  	_ =	shalt  }
0x60: {  	_ =	shalt  }
0x61: {  	_ =	shalt  }
0x62: {  	_ =	shalt  }
0x63: {  	_ =	shalt  }
0x64: {  	_ =	shalt  }
0x65: {  	_ =	shalt  }
0x66: {  	_ =	shalt  }
0x67: {  	_ =	shalt  }
0x68: {  	_ =	shalt  }
0x69: {  	_ =	shalt  }
0x6a: {  	_ =	shalt  }
0x6b: {  	_ =	shalt  }
0x6c: {  	_ =	shalt  }
0x6d: {  	_ =	shalt  }
0x6e: {  	_ =	shalt  }
0x6f: {  	_ =	shalt  }
0x70: {  	_ =	shalt  }
0x71: {  	_ =	shalt  }
0x72: {  	_ =	shalt  }
0x73: {  	_ =	shalt  }
0x74: {  	_ =	shalt  }
0x75: {  	_ =	shalt  }
0x76: {  	_ =	shalt  }
0x77: {  	_ =	shalt  }
0x78: {  	_ =	shalt  }
0x79: {  	_ =	shalt  }
0x7a: {  	_ =	shalt  }
0x7b: {  	_ =	shalt  }
0x7c: {  	_ =	shalt  }
0x7d: {  	_ =	shalt  }
0x7e: {  	_ =	shalt  }
0x7f: {  	_ =	shalt  }
0x80: {  	_ =	shalt  }
0x81: {  	_ =	shalt  }
0x82: {  	_ =	shalt  }
0x83: {  	_ =	shalt  }
0x84: {  	_ =	shalt  }
0x85: {  	_ =	shalt  }
0x86: {  	_ =	shalt  }
0x87: {  	_ =	shalt  }
.Lfunc_end0:
.L_simem_size_0:
called_computation_lowered:
.L_overlay_start_0:
0x88: {  	s2 =	sld [smem:$0x3FD9]  }
0x89: {  	s3 =	sld [smem:$0x3FFE];
	_ =	sdelay $0x1  }
0x8a: {  	s1 =	srdreg.scid  }
0x8b: {  	s0 =	sand.u32 $0x1, s1  }
0x8c: {  	s17 =	sshll.u32 s0, $0xA;
	s2 =	sadd.s32 s3, s2  }
0x8d: {  	s2 =	sadd.s32 s2, s17  }
0x8e: {  	[smem:$0x3FC4] =	sst s2  }
0x8f: {  	_ = 	snop  }
0x90: {  	s2 =	sld [smem:$0x3FD0];
	(tm) =	ssettm $0x1  }
0x91: {  	s18 =	sld [smem:$0x3FFB];
	_ =	sdelay $0x3  }
0x92: {  	_ =	strace s18  }
0x93: {  	s3 =	sld [smem:$0x3FFC];
	_ =	sdelay $0x3  }
0x94: {  	_ =	strace s3  }
0x95: {  	s3 =	sld [smem:$0x3FFD];
	_ =	sdelay $0x3  }
0x96: {  	_ =	strace s3  }
0x97: {  	_ =	strace $0x8FFFFFFF  }
0x98: {  	s19 =	sld [smem:$0x3FDB];
	_ =	sdelay $0x1  }
0x99: {  	s4 =	simm.s32 $_scs_section_size  }
0x9a: {  	s5 =	simm.s32 $_size__tile_overlayer_lowered;
	s6 =	simm.s32 $_tile_overlayer_lowered  }
0x9b: {  	s22 =	simm.s32 $0x1BFF;
	s21 =	sshll.u32 s6, $0x1;
	s3 =	sadd.s32 s4, s19  }
0x9c: {  	s7 =	simm.s32 $0x0;
	s20 =	sshll.u32 s5, $0x1;
	s5 =	sadd.s32 s21, s3  }
0x9d: {  	[timem:s7], [sflag:s22] =	dma.local [hbm:s5], s20  }
0x9e: {  	_ =	swait.ge [sflag:s22], s20  }
0x9f: {  	s4 =	ssub.s32 $0x0, s20;
	[sflag:s22] =	ssyncset.done $0x0  }
0xa0: {  	[sflag:s22] =	ssyncadd.s32 s4;
	_ =	sdelay $0x1  }
0xa1: {  	s23 =	simm.s32 $0x1B8B  }
0xa2: {  	_ =	swait.ge [sflag:s23], $0x1  }
0xa3: {  	[sflag:s23] =	ssyncset.done $0x0  }
0xa4: {  	s25 =	simm.s32 $0x1B8E;
	s24 =	sld [smem:$0x3FFE];
	[sflag:s23] =	ssyncadd.s32 $0xFFFFFFFF  }
0xa5: {  	s26 =	simm.s32 $execute0_lowered;
	[smem:$0x3FD2] =	sst s25  }
0xa6: {  	s5 =	sshll.u32 s26, $0x1;
	_ =	strace $0x80000046;
	[dreg:$0x1] =	wrdreg $0xFFFFFFFF  }
0xa7: {  	s28 =	simm.s32 $_size_execute0_lowered;
	s3 =	sadd.s32 s3, s5;
	[dreg:$0x0] =	wrdreg $0x0  }
0xa8: {  	s5 =	sshll.u32 s28, $0x1;
	[dreg:$0x2] =	wrdreg s3  }
0xa9: {  	[dreg:$0x3] =	wrdreg s5  }
0xaa: {  	[dreg:$0x4] =	wrdreg $0xC0  }
0xab: {  	_ =	task [dreg:s7], $0x5FFFF  }
0xac: {  	[dreg:$0x1] =	wrdreg $0xFFFFFFFF  }
0xad: {  	[dreg:$0x0] =	wrdreg $0x60  }
0xae: {  	[dreg:$0x2] =	wrdreg s24  }
0xaf: {  	[dreg:$0x3] =	wrdreg s2  }
0xb0: {  	[dreg:$0x4] =	wrdreg $0xB0000  }
0xb1: {  	[dreg:$0x5] =	wrdreg $0x9  }
0xb2: {  	_ =	task.clear_ibuf [dreg:s7], $0x6FFFF;
	_ =	strace $0x90000046  }
0xb3: {  	s29 =	simm.s32 $0x9;
	_ =	strace $0x80000048  }
0xb4: {  	_ =	swait.ge [sflag:s29], $0x1  }
0xb5: {  	[sflag:s29] =	ssyncadd.s32 $0xFFFFFFFF  }
0xb6: {  	_ =	strace $0x90000048  }
0xb7: {  	_ =	sfence  }
0xb8: {  	s30 =	sld [smem:$0x0];
	_ =	sdelay $0x2  }
0xb9: {  	s31 =	sshll.u32 s1, $0xD;
	s1 =	sshrl.u32 s1, $0x2  }
0xba: {  	s3 =	sand.u32 $0x4000, s31;
	s1 =	sadd.s32 s1, s30  }
0xbb: {  	s0 =	sor.u32 s3, s0;
	s1 =	sshll.u32 s1, $0x11  }
0xbc: {  	s0 =	sor.u32 s1, s0  }
0xbd: {  	s0 =	sadd.s32 $0x8F2B, s0  }
0xbe: {  	[sflag:s0] =	ssyncadd.remote.s32 $0x1  }
0xbf: {  	_ =	sfence.sel $0xFFFF  }
0xc0: {  	[dreg:$0x0] =	wrdreg $0xFFFFFFFF;
	(pc) =	sbr.abs _section_cstart, $3  }
0xc1: {  	[dreg:$0x1] =	wrdreg $0xFFFFFFFF  }
0xc2: {  	_ =	task.clear_ibuf [dreg:s7], $0x2FFFF;
	_ =	strace $0x9FFFFFFF  }
0xc3: {  	(tm) =	ssettm $0x7FFFFFFF  }
tec
execute0_lowered:
.L_overlay_start_1:
0x0: {  	(tag) =	ssettag $0x1  }
0x1: {  	s9 =	rddreg [dreg:$0x0]  }
0x2: {  	s8 =	rddreg [dreg:$0x1];
	s0 =	stileid.u32  }
0x3: {  	s1 =	srdreg.scid;
	s2 =	rddreg [dreg:$0x2]  }
0x4: {  	s3 =	simm.s32 $0x0;
	s16 =	simm.s32 $0x3800;
	s17 =	simm.s32 $0x40  }
0x5: {  	s18 =	simm.s32 $0x7000;
	s19 =	simm.s32 $0x9000;
	s20 =	simm.s32 $0x1  }
0x6: {  	s21 =	simm.s32 $0x2;
	s6 =	sand.u32 $0x1, s1;
	s1 =	rddreg [dreg:$0x3]  }
0x7: {  	s22 =	simm.s32 $0x0;
	s5 =	smul.u32 $0x13C00, s0;
	[smem:$0x7FF] =	sst s3  }
0x8: {  	s4 =	sadd.s32 $0xE000, s9;
	s30 =	sshll.u32 s0, $0x6;
	s7 =	smul.u32 $0x13C000, s6  }
0x9: {  	_ =	strace $0x80000047;
	s11 =	ssub.s32 $0x2, s6;
	s28 =	sshll.u32 s6, $0x4  }
0xa: {  	p0 =	seq.s32 s6, $0x0;
	s10 =	sshrl.u32 s5, $0x3;
	s26 =	sshrl.u32 s11, $0x1  }
0xb: {  	s14 =	sadd.s32 s5, s2;
	s29 =	sor.u32 s0, s28;
	s7 =	sadd.s32 s5, s7  }
0xc: {  	s10 =	sadd.s32 s10, s9;
	s13 =	ssub.s32 s11, s26;
	s5 =	simm.s32 $0x2C  }
0xd: {  	s15 =	smul.u32 $0x700, s29;
	s14 =	sshrl.u32 s14, $0x3;
	s7 =	sshrl.u32 s7, $0x3  }
0xe: {  	s5 =	simm.s32 @!p0 $0x6F;
	s6 =	sadd.s32 $0x35200, s10;
	s13 =	smax.u32 s13, $0x1  }
0xf: {  	s12 =	sadd.s32 s7, s9;
	s7 =	sor.u32 $0x1C03, s30;
	s31 =	sshll.u32 s5, $0x7  }
0x10: {  	s8 =	sadd.s32 s8, s15;
	s9 =	sadd.s32 s9, s15;
	s15 =	simm.s32 $0x3  }
0x11: {  	s10 =	sadd.s32 $0x3800, s31;
	s11 =	sadd.s32 $0x3840, s31;
	s12 =	sadd.s32 $0x5CA00, s12  }
.LBB2_1:
0x12: {  	[spmem:s14], [sflag:s7] =	dma.local [hbm:s6], $0x2780  }
0x13: {  	_ =	swait.ge [sflag:s15], $0x2780  }
0x14: {  	[sflag:s15] =	ssyncset.done $0x0  }
0x15: {  	[sflag:s15] =	ssyncadd.s32 $0xFFFFD880  }
0x16: {  	[tilespmem:s3], [sflag:$0x3] =	stream.linear.gather [hbm4b:s8+s3], $0x3800, $0x38;
	[tilespmem:$0x1EC00] =	vst v63  }
0x17: {  	_ =	swait.ge [sflag:s15], $0x3800  }
0x18: {  	[sflag:s15] =	ssyncset.done $0x0  }
0x19: {  	[sflag:s15] =	ssyncadd.s32 $0xFFFFC800  }
0x1a: {  	[tilespmem:s16], [sflag:$0x3] =	stream.linear.gather [hbm4b:s9+s3], $0x3800, $0x38;
	[tilespmem:$0x1EC00] =	vst v63  }
0x1b: {  	_ =	swait.ge [sflag:s15], $0x3800  }
0x1c: {  	[sflag:s15] =	ssyncset.done $0x0  }
0x1d: {  	[sflag:s15] =	ssyncadd.s32 $0xFFFFC800  }
0x1e: {  	[bflag:$0x0] =	sbarrier.arrive $0xFFFF  }
0x1f: {  	[tilespmem:s18], [sflag:$0x1] =	stream.indirect.gather [hbm4b:s4+s17], $0x80, s3, s17, $0xb8;
	[tilespmem:$0x1EC00] =	vst v63  }
0x20: {  	_ = 	snop  }
0x21: {  	[tilespmem:s19], [sflag:$0x2] =	stream.indirect.gather [hbm4b:s4+s17], $0x80, s17, s17, $0xb8;
	[tilespmem:$0x1EC00] =	vst v63  }
0x22: {  	_ =	swait.ge [sflag:s20], $0x2000  }
0x23: {  	[sflag:s20] =	ssyncset.done $0x0  }
0x24: {  	s23 =	simm.s32 $0x3800;
	[sflag:s20] =	ssyncadd.s32 $0xFFFFE000  }
0x25: {  	[spmem:s2] =	stream.indirect.scatter.add.f32 [tilespmem:s18], [sflag:$0x3], $0x80, s23, s17, $0xb8;
	[tilespmem:$0x1EC00] =	vst v63  }
0x26: {  	_ =	swait.ge [sflag:s15], $0x2000  }
0x27: {  	[sflag:s15] =	ssyncset.done $0x0  }
0x28: {  	s30 =	simm.s32 $0x80;
	[sflag:s15] =	ssyncadd.s32 $0xFFFFE000  }
0x29: {  	[tilespmem:s18], [sflag:$0x1] =	stream.indirect.gather [hbm4b:s4+s17], $0x80, s30, s17, $0xb8;
	[tilespmem:$0x1EC00] =	vst v63  }
0x2a: {  	_ =	swait.ge [sflag:s21], $0x2000  }
0x2b: {  	p0 =	sne.s32 s5, $0x1;
	[sflag:s21] =	ssyncset.done $0x0  }
.Ltmp0:
0x2c: {  	s31 =	simm.s32 $0x3840;
	[sflag:s21] =	ssyncadd.s32 $0xFFFFE000;
	(pc) =	sbr.rel @!p0 .LBB2_3-.Ltmp0, $4  }
0x2d: {  	[spmem:s2] =	stream.indirect.scatter.add.f32 [tilespmem:s19], [sflag:$0x3], $0x80, s31, s17, $0xb8;
	[tilespmem:$0x1EC00] =	vst v63  }
0x2e: {  	_ =	swait.ge [sflag:s15], $0x2000  }
0x2f: {  	s24 =	simm.s32 $0xC0;
	s25 =	simm.s32 $0x140;
	[sflag:s15] =	ssyncset.done $0x0  }
0x30: {  	s26 =	simm.s32 $0x38C0;
	s23 =	sadd.s32 $0xFFFFFFFF, s5;
	[sflag:s15] =	ssyncadd.s32 $0xFFFFE000  }
.LBB2_2:
0x31: {  	[tilespmem:s19], [sflag:$0x2] =	stream.indirect.gather [hbm4b:s4+s17], $0x80, s24, s17, $0xb8;
	[tilespmem:$0x1EC00] =	vst v63  }
0x32: {  	p0 =	sne.s32 s23, $0x1;
	s23 =	sadd.s32 $0xFFFFFFFF, s23;
	_ =	swait.ge [sflag:s20], $0x2000  }
0x33: {  	s24 =	smov.u32 s25;
	[sflag:s20] =	ssyncset.done $0x0  }
0x34: {  	s28 =	sadd.s32 $0xFFFFFFC0, s26;
	[sflag:s20] =	ssyncadd.s32 $0xFFFFE000  }
0x35: {  	[spmem:s2] =	stream.indirect.scatter.add.f32 [tilespmem:s18], [sflag:$0x3], $0x80, s28, s17, $0xb8;
	[tilespmem:$0x1EC00] =	vst v63  }
0x36: {  	_ =	swait.ge [sflag:s15], $0x2000  }
0x37: {  	[sflag:s15] =	ssyncset.done $0x0  }
0x38: {  	s28 =	sadd.s32 $0xFFFFFFC0, s25;
	[sflag:s15] =	ssyncadd.s32 $0xFFFFE000  }
0x39: {  	[tilespmem:s18], [sflag:$0x1] =	stream.indirect.gather [hbm4b:s4+s17], $0x80, s28, s17, $0xb8;
	[tilespmem:$0x1EC00] =	vst v63  }
0x3a: {  	_ =	swait.ge [sflag:s21], $0x2000  }
0x3b: {  	[sflag:s21] =	ssyncset.done $0x0  }
.Ltmp1:
0x3c: {  	[sflag:s21] =	ssyncadd.s32 $0xFFFFE000;
	(pc) =	sbr.rel @p0 .LBB2_2-.Ltmp1, $4  }
0x3d: {  	[spmem:s2] =	stream.indirect.scatter.add.f32 [tilespmem:s19], [sflag:$0x3], $0x80, s26, s17, $0xb8;
	[tilespmem:$0x1EC00] =	vst v63  }
0x3e: {  	_ =	swait.ge [sflag:s15], $0x2000  }
0x3f: {  	[sflag:s15] =	ssyncset.done $0x0  }
0x40: {  	s25 =	sadd.s32 $0x80, s25;
	s26 =	sadd.s32 $0x80, s26;
	[sflag:s15] =	ssyncadd.s32 $0xFFFFE000  }
.LBB2_3:
0x41: {  	[tilespmem:s19], [sflag:$0x2] =	stream.indirect.gather [hbm4b:s4+s17], $0x80, s24, s17, $0xb8;
	[tilespmem:$0x1EC00] =	vst v63  }
0x42: {  	_ =	swait.ge [sflag:s20], $0x2000  }
0x43: {  	[sflag:s20] =	ssyncset.done $0x0  }
0x44: {  	[sflag:s20] =	ssyncadd.s32 $0xFFFFE000  }
0x45: {  	[spmem:s2] =	stream.indirect.scatter.add.f32 [tilespmem:s18], [sflag:$0x3], $0x80, s10, s17, $0xb8;
	[tilespmem:$0x1EC00] =	vst v63  }
0x46: {  	_ =	swait.ge [sflag:s15], $0x2000  }
0x47: {  	[sflag:s15] =	ssyncset.done $0x0  }
0x48: {  	[sflag:s15] =	ssyncadd.s32 $0xFFFFE000  }
0x49: {  	_ =	swait.ge [sflag:s21], $0x2000  }
0x4a: {  	[sflag:s21] =	ssyncset.done $0x0  }
0x4b: {  	[sflag:s21] =	ssyncadd.s32 $0xFFFFE000  }
0x4c: {  	[spmem:s2] =	stream.indirect.scatter.add.f32 [tilespmem:s19], [sflag:$0x3], $0x80, s11, s17, $0xb8;
	[tilespmem:$0x1EC00] =	vst v63  }
0x4d: {  	_ =	swait.ge [sflag:s15], $0x2000  }
0x4e: {  	s22 =	sadd.s32 $0x1, s22;
	[sflag:s15] =	ssyncset.done $0x0  }
0x4f: {  	p0 =	sne.s32 s22, s13;
	[sflag:s15] =	ssyncadd.s32 $0xFFFFE000  }
.Ltmp2:
0x50: {  	[bflag:$0x0] =	sbarrier.arrive $0xFFFF;
	(pc) =	sbr.rel @p0 .LBB2_1-.Ltmp2, $4  }
0x51: {  	[hbm:s12], [sflag:s7] =	dma.local [spmem:s14], $0x2780  }
0x52: {  	_ =	swait.ge [sflag:s15], $0x2780  }
0x53: {  	[sflag:s15] =	ssyncset.done $0x0  }
0x54: {  	[sflag:s15] =	ssyncadd.s32 $0xFFFFD880  }
0x55: {  	_ =	sfence.sel $0x180000  }
0x56: {  	[bflag:$0x0] =	sbarrier.arrive $0xFFFF  }
0x57: {  	p0 =	sne.s32 s0, $0x0;
	_ =	strace $0x90000047  }
0x58: {  	s0 =	sadd.s32 @!p0 $0x100000, s1;
	[bflag:$0x2] =	sbarrier.arrive $0xFFFF  }
0x59: {  	[sflag:s0] =	ssyncadd.tile.s32 @!p0 $0x1;
	_ =	shalt  }
.Lfunc_end2:
_tile_overlayer_lowered:
.L_overlay_start_2:
0x5a: {  	(tag) =	ssettag $0x2  }
0x5b: {  	s0 =	rddreg [dreg:$0x0];
	s2 =	stileid.u32  }
0x5c: {  	s1 =	rddreg [dreg:$0x1];
	p0 =	sne.s32 s2, $0x0  }
0x5d: {  	s3 =	rddreg [dreg:$0x2];
	[bflag:$0x3] =	sbarrier.arrive $0xFFFF;
	s2 =	simm.s32 @!p0 $0x1C03  }
0x5e: {  	[timem:s3], [sflag:s2] =	dma.local @!p0 [hbm:s0], s1  }
0x5f: {  	s0 =	simm.s32 @!p0 $0x3  }
0x60: {  	_ =	swait.ge @!p0 [sflag:s0], s1  }
0x61: {  	s1 =	ssub.s32 @!p0 $0x0, s1;
	[sflag:s0] =	ssyncset.done @!p0 $0x0  }
0x62: {  	[sflag:s0] =	ssyncadd.s32 @!p0 s1  }
0x63: {  	[bflag:$0x3] =	sbarrier.arrive $0xFFFF  }
0x64: {  	_ =	shalt  }

</sc_bundles>
